<compile_context>
chip_gen: v7x
topology: tpu7x:2x2x1
jax: 0.10.2.dev20260603
libtpu: 0.0.44.dev20260713+nightly
codegen_flags: <defaults>
</compile_context>

<pallas_src>
import functools

import jax
import jax.numpy as jnp
from jax import lax
from jax.experimental import pallas as pl
from jax.experimental.pallas import tpu as pltpu
from jax.experimental.pallas import tpu_sc as plsc

N_NODES = 10000
D = 128
N_EDGES = 320000

NC = 2
NS = 16
NW = NC * NS
CHUNK = 128
NCH = 80
E_PAD = NW * NCH * CHUNK
ACC_ROWS = 10240
ROWS_PER_TILE = ACC_ROWS // NS
TRASH_ROW = 10100

_ROW_BLK = 1000


def _mlp1_body(x_ref, w_ref, b_ref, o_ref):
    o_ref[...] = jnp.maximum(
        jnp.dot(x_ref[...], w_ref[...], preferred_element_type=jnp.float32)
        + b_ref[...], 0.0)


def _mlp2_body(p0_ref, p1_ref, x_ref, w_ref, b_ref, o_ref):
    agg = p0_ref[0] + p1_ref[0]
    o_ref[...] = jnp.maximum(
        jnp.dot(agg, w_ref[...], preferred_element_type=jnp.float32)
        + b_ref[...], 0.0) + x_ref[...]


_sc_mesh = plsc.VectorSubcoreMesh(core_axis_name="c", subcore_axis_name="s")


WCH = 8
NWIN = NCH // WCH


@functools.partial(
    pl.kernel,
    mesh=_sc_mesh,
    out_type=jax.ShapeDtypeStruct((NC, ACC_ROWS, D), jnp.float32),
    scratch_types=[
        pltpu.VMEM((2, WCH, CHUNK), jnp.int32),
        pltpu.VMEM((2, WCH, CHUNK), jnp.int32),
        pltpu.VMEM((2, CHUNK, D), jnp.float32),
        pltpu.VMEM_SHARED((ACC_ROWS, D), jnp.float32),
        pltpu.SemaphoreType.DMA,
        pltpu.SemaphoreType.DMA,
        pltpu.SemaphoreType.DMA,
    ],
)
def _sc_aggregate(msg_hbm, src_hbm, dst_hbm, out_hbm, src_w, dst_w, buf_v,
                  acc_sh, semg, sems, semi):
    c = lax.axis_index("c")
    s = lax.axis_index("s")
    wid = s * NC + c

    def _zero_row(r, carry):
        for j in range(D // 16):
            buf_v[0, r, pl.ds(j * 16, 16)] = jnp.zeros((16,), jnp.float32)
        return carry
    lax.fori_loop(0, CHUNK, _zero_row, 0)
    for k in range(ROWS_PER_TILE // CHUNK):
        pltpu.sync_copy(buf_v.at[0],
                        acc_sh.at[pl.ds(s * ROWS_PER_TILE + k * CHUNK, CHUNK)])
    plsc.subcore_barrier()

    pltpu.sync_copy(src_hbm.at[wid, pl.ds(0, WCH)], src_w.at[0])
    pltpu.sync_copy(dst_hbm.at[wid, pl.ds(0, WCH)], dst_w.at[0])

    def _window(w, carry):
        wb = lax.rem(w, 2)

        @pl.when(w < NWIN - 1)
        def _():
            pltpu.async_copy(src_hbm.at[wid, pl.ds((w + 1) * WCH, WCH)],
                             src_w.at[1 - wb], semi)
            pltpu.async_copy(dst_hbm.at[wid, pl.ds((w + 1) * WCH, WCH)],
                             dst_w.at[1 - wb], semi)

        gd = [None, None]
        for k in range(2):
            gd[k] = pltpu.async_copy(msg_hbm.at[src_w.at[wb, k]],
                                     buf_v.at[k], semg)
        for k in range(WCH):
            gd[k % 2].wait()
            sd = pltpu.async_copy(buf_v.at[k % 2],
                                  acc_sh.at[dst_w.at[wb, k]], sems, add=True)
            sd.wait()
            if k + 2 < WCH:
                gd[k % 2] = pltpu.async_copy(msg_hbm.at[src_w.at[wb, k + 2]],
                                             buf_v.at[k % 2], semg)

        @pl.when(w < NWIN - 1)
        def _():
            pltpu.make_async_copy(src_hbm.at[wid, pl.ds((w + 1) * WCH, WCH)],
                                  src_w.at[1 - wb], semi).wait()
            pltpu.make_async_copy(dst_hbm.at[wid, pl.ds((w + 1) * WCH, WCH)],
                                  dst_w.at[1 - wb], semi).wait()
        return carry
    lax.fori_loop(0, NWIN, _window, 0)
    plsc.subcore_barrier()

    pltpu.sync_copy(acc_sh.at[pl.ds(s * ROWS_PER_TILE, ROWS_PER_TILE)],
                    out_hbm.at[c, pl.ds(s * ROWS_PER_TILE, ROWS_PER_TILE)])


def kernel(x, edge_index, W1, b1, W2, b2):
    src = edge_index[0].astype(jnp.int32)
    dst = edge_index[1].astype(jnp.int32)
    pad = E_PAD - N_EDGES
    src_p = jnp.concatenate([src, jnp.zeros((pad,), jnp.int32)])
    trash = N_NODES + (jnp.arange(pad, dtype=jnp.int32) % (ACC_ROWS - N_NODES))
    dst_p = jnp.concatenate([dst, trash])
    src_p = src_p.reshape(NW, NCH, CHUNK)
    dst_p = dst_p.reshape(NW, NCH, CHUNK)

    messages = pl.pallas_call(
        _mlp1_body,
        grid=(N_NODES // _ROW_BLK,),
        in_specs=[
            pl.BlockSpec((_ROW_BLK, D), lambda i: (i, 0)),
            pl.BlockSpec((D, D), lambda i: (0, 0)),
            pl.BlockSpec((1, D), lambda i: (0, 0)),
        ],
        out_specs=pl.BlockSpec((_ROW_BLK, D), lambda i: (i, 0)),
        out_shape=jax.ShapeDtypeStruct((N_NODES, D), jnp.float32),
    )(x, W1, b1.reshape(1, D))

    partials = _sc_aggregate(messages, src_p, dst_p)

    out = pl.pallas_call(
        _mlp2_body,
        grid=(N_NODES // _ROW_BLK,),
        in_specs=[
            pl.BlockSpec((1, _ROW_BLK, D), lambda i: (0, i, 0)),
            pl.BlockSpec((1, _ROW_BLK, D), lambda i: (1, i, 0)),
            pl.BlockSpec((_ROW_BLK, D), lambda i: (i, 0)),
            pl.BlockSpec((D, D), lambda i: (0, 0)),
            pl.BlockSpec((1, D), lambda i: (0, 0)),
        ],
        out_specs=pl.BlockSpec((_ROW_BLK, D), lambda i: (i, 0)),
        out_shape=jax.ShapeDtypeStruct((N_NODES, D), jnp.float32),
    )(partials, partials, x, W2, b2.reshape(1, D))
    return out

# --- scband reference (transcript-rebuilt; emitter-appended) ---
"""Pipeline reference for scband-graph-message-passing-7335804142018 (READ-ONLY COPY).

The authoritative reference and input builder live on the scoring server;
editing this copy changes nothing except your own understanding.
"""

import jax, jax.numpy as jnp
import numpy as np

N_NODES = 10000
N_EDGES = 320000
D = 128

def setup_inputs(seed: int = 0) -> dict:
    key = jax.random.key(seed)
    k_x, k_e, k_w1, k_b1, k_w2, k_b2 = jax.random.split(key, 6)
    x = jax.random.normal(k_x, (N_NODES, D), dtype=jnp.float32)
    edge_index = jax.random.randint(k_e, (2, N_EDGES), 0, N_NODES, dtype=jnp.int64)
    # message_net: Linear(in_dim=128, out_dim=128); update_net: Linear(128, 128)
    bound1 = 1.0 / np.sqrt(D)
    W1 = jax.random.uniform(k_w1, (D, D), dtype=jnp.float32, minval=-bound1, maxval=bound1)
    b1 = jax.random.uniform(k_b1, (D,), dtype=jnp.float32, minval=-bound1, maxval=bound1)
    bound2 = 1.0 / np.sqrt(D)
    W2 = jax.random.uniform(k_w2, (D, D), dtype=jnp.float32, minval=-bound2, maxval=bound2)
    b2 = jax.random.uniform(k_b2, (D,), dtype=jnp.float32, minval=-bound2, maxval=bound2)
    return {"x": x, "edge_index": edge_index, "W1": W1, "b1": b1, "W2": W2, "b2": b2}

def reference(x, edge_index, W1, b1, W2, b2):
    # messages = ReLU(x @ W1 + b1)
    messages = jax.nn.relu(x @ W1 + b1)
    src = edge_index[0]
    dst = edge_index[1]
    # gather messages at source nodes, scatter-add into destination nodes
    gathered = jnp.take(messages, src, axis=0)
    aggregated = jnp.zeros((x.shape[0], messages.shape[1]), dtype=x.dtype).at[dst].add(gathered)
    # update_net: ReLU(agg @ W2 + b2)
    updated = jax.nn.relu(aggregated @ W2 + b2)
    return updated + x

if __name__ == "__main__":
    import jax
    _d = setup_inputs()
    print(jax.jit(kernel)(*tuple(_d.values())))

</pallas_src>

<mosaic_0001>
#map = affine_map<(d0, d1) -> (0, 0)>
#map1 = affine_map<(d0, d1) -> (0, 0, 0)>
module attributes {stable_mosaic.version = 14 : i64} {
  func.func @_sc_aggregate(%arg0: i32, %arg1: i32, %arg2: memref<10000x128xf32, #tpu.memory_space<hbm>>, %arg3: memref<32x80x128xi32, #tpu.memory_space<hbm>>, %arg4: memref<32x80x128xi32, #tpu.memory_space<hbm>>, %arg5: memref<2x10240x128xf32, #tpu.memory_space<hbm>>, %arg6: memref<2x8x128xi32, #tpu.memory_space<vmem>>, %arg7: memref<2x8x128xi32, #tpu.memory_space<vmem>>, %arg8: memref<2x128x128xf32, #tpu.memory_space<vmem>>, %arg9: memref<10240x128xf32, #tpu.memory_space<vmem_shared>>, %arg10: memref<!tpu.dma_semaphore, #tpu.memory_space<semaphore_mem>>, %arg11: memref<!tpu.dma_semaphore, #tpu.memory_space<semaphore_mem>>, %arg12: memref<!tpu.dma_semaphore, #tpu.memory_space<semaphore_mem>>) attributes {dimension_semantics = [#tpu.dimension_semantics<core_parallel>, #tpu.dimension_semantics<subcore_parallel>], iteration_bounds = array<i64: 2, 16>, scalar_prefetch = 0 : i64, scratch_operands = 7 : i64, tpu.core_type = #tpu.core_type<sc_vector_subcore>, window_params = [{transform_indices = #map}, {transform_indices = #map1}, {transform_indices = #map1}, {transform_indices = #map1}]} {
    %mul3A = arith.constant 2 : i32
    %mul3A_0 = arith.muli %arg1, %mul3A : i32
    %add3A = arith.addi %mul3A_0, %arg0 : i32
    %scan3A = arith.constant 0 : i32
    %scan3A_1 = arith.constant 0 : i32
    %scan3A_2 = arith.constant 128 : i32
    %scan3A_3 = arith.addi %scan3A_1, %scan3A_2 : i32
    %scan3A_4 = arith.constant 1 : i32
    scf.for %scan3A_43 = %scan3A_1 to %scan3A_3 step %scan3A_4  : i32 {
      %broadcast_in_dim3A = arith.constant 0.000000e+00 : f32
      %broadcast_in_dim3A_44 = vector.broadcast %broadcast_in_dim3A : f32 to vector<16xf32>
      %swap3A = arith.constant 0 : i32
      %swap3A_45 = arith.index_cast %swap3A : i32 to index
      %swap3A_46 = arith.index_cast %scan3A_43 : i32 to index
      %swap3A_47 = arith.constant 0 : index
      %swap3A_48 = tpu.vector_load %arg8[%swap3A_45, %swap3A_46, %swap3A_47] {strides = array<i32>} : memref<2x128x128xf32, #tpu.memory_space<vmem>>, vector<1x1x16xf32>,
      %swap3A_49 = vector.shape_cast %swap3A_48 : vector<1x1x16xf32> to vector<16xf32>
      %swap3A_50 = vector.shape_cast %broadcast_in_dim3A_44 : vector<16xf32> to vector<1x1x16xf32>
      tpu.vector_store %arg8[%swap3A_45, %swap3A_46, %swap3A_47], %swap3A_50 {strides = array<i32>} : memref<2x128x128xf32, #tpu.memory_space<vmem>>, vector<1x1x16xf32>,
      %broadcast_in_dim3A_51 = arith.constant 0.000000e+00 : f32
      %broadcast_in_dim3A_52 = vector.broadcast %broadcast_in_dim3A_51 : f32 to vector<16xf32>
      %swap3A_53 = arith.constant 0 : i32
      %swap3A_54 = arith.index_cast %swap3A_53 : i32 to index
      %swap3A_55 = arith.index_cast %scan3A_43 : i32 to index
      %swap3A_56 = arith.constant 16 : index
      %swap3A_57 = tpu.vector_load %arg8[%swap3A_54, %swap3A_55, %swap3A_56] {strides = array<i32>} : memref<2x128x128xf32, #tpu.memory_space<vmem>>, vector<1x1x16xf32>,
      %swap3A_58 = vector.shape_cast %swap3A_57 : vector<1x1x16xf32> to vector<16xf32>
      %swap3A_59 = vector.shape_cast %broadcast_in_dim3A_52 : vector<16xf32> to vector<1x1x16xf32>
      tpu.vector_store %arg8[%swap3A_54, %swap3A_55, %swap3A_56], %swap3A_59 {strides = array<i32>} : memref<2x128x128xf32, #tpu.memory_space<vmem>>, vector<1x1x16xf32>,
      %broadcast_in_dim3A_60 = arith.constant 0.000000e+00 : f32
      %broadcast_in_dim3A_61 = vector.broadcast %broadcast_in_dim3A_60 : f32 to vector<16xf32>
      %swap3A_62 = arith.constant 0 : i32
      %swap3A_63 = arith.index_cast %swap3A_62 : i32 to index
      %swap3A_64 = arith.index_cast %scan3A_43 : i32 to index
      %swap3A_65 = arith.constant 32 : index
      %swap3A_66 = tpu.vector_load %arg8[%swap3A_63, %swap3A_64, %swap3A_65] {strides = array<i32>} : memref<2x128x128xf32, #tpu.memory_space<vmem>>, vector<1x1x16xf32>,
      %swap3A_67 = vector.shape_cast %swap3A_66 : vector<1x1x16xf32> to vector<16xf32>
      %swap3A_68 = vector.shape_cast %broadcast_in_dim3A_61 : vector<16xf32> to vector<1x1x16xf32>
      tpu.vector_store %arg8[%swap3A_63, %swap3A_64, %swap3A_65], %swap3A_68 {strides = array<i32>} : memref<2x128x128xf32, #tpu.memory_space<vmem>>, vector<1x1x16xf32>,
      %broadcast_in_dim3A_69 = arith.constant 0.000000e+00 : f32
      %broadcast_in_dim3A_70 = vector.broadcast %broadcast_in_dim3A_69 : f32 to vector<16xf32>
      %swap3A_71 = arith.constant 0 : i32
      %swap3A_72 = arith.index_cast %swap3A_71 : i32 to index
      %swap3A_73 = arith.index_cast %scan3A_43 : i32 to index
      %swap3A_74 = arith.constant 48 : index
      %swap3A_75 = tpu.vector_load %arg8[%swap3A_72, %swap3A_73, %swap3A_74] {strides = array<i32>} : memref<2x128x128xf32, #tpu.memory_space<vmem>>, vector<1x1x16xf32>,
      %swap3A_76 = vector.shape_cast %swap3A_75 : vector<1x1x16xf32> to vector<16xf32>
      %swap3A_77 = vector.shape_cast %broadcast_in_dim3A_70 : vector<16xf32> to vector<1x1x16xf32>
      tpu.vector_store %arg8[%swap3A_72, %swap3A_73, %swap3A_74], %swap3A_77 {strides = array<i32>} : memref<2x128x128xf32, #tpu.memory_space<vmem>>, vector<1x1x16xf32>,
      %broadcast_in_dim3A_78 = arith.constant 0.000000e+00 : f32
      %broadcast_in_dim3A_79 = vector.broadcast %broadcast_in_dim3A_78 : f32 to vector<16xf32>
      %swap3A_80 = arith.constant 0 : i32
      %swap3A_81 = arith.index_cast %swap3A_80 : i32 to index
      %swap3A_82 = arith.index_cast %scan3A_43 : i32 to index
      %swap3A_83 = arith.constant 64 : index
      %swap3A_84 = tpu.vector_load %arg8[%swap3A_81, %swap3A_82, %swap3A_83] {strides = array<i32>} : memref<2x128x128xf32, #tpu.memory_space<vmem>>, vector<1x1x16xf32>,
      %swap3A_85 = vector.shape_cast %swap3A_84 : vector<1x1x16xf32> to vector<16xf32>
      %swap3A_86 = vector.shape_cast %broadcast_in_dim3A_79 : vector<16xf32> to vector<1x1x16xf32>
      tpu.vector_store %arg8[%swap3A_81, %swap3A_82, %swap3A_83], %swap3A_86 {strides = array<i32>} : memref<2x128x128xf32, #tpu.memory_space<vmem>>, vector<1x1x16xf32>,
      %broadcast_in_dim3A_87 = arith.constant 0.000000e+00 : f32
      %broadcast_in_dim3A_88 = vector.broadcast %broadcast_in_dim3A_87 : f32 to vector<16xf32>
      %swap3A_89 = arith.constant 0 : i32
      %swap3A_90 = arith.index_cast %swap3A_89 : i32 to index
      %swap3A_91 = arith.index_cast %scan3A_43 : i32 to index
      %swap3A_92 = arith.constant 80 : index
      %swap3A_93 = tpu.vector_load %arg8[%swap3A_90, %swap3A_91, %swap3A_92] {strides = array<i32>} : memref<2x128x128xf32, #tpu.memory_space<vmem>>, vector<1x1x16xf32>,
      %swap3A_94 = vector.shape_cast %swap3A_93 : vector<1x1x16xf32> to vector<16xf32>
      %swap3A_95 = vector.shape_cast %broadcast_in_dim3A_88 : vector<16xf32> to vector<1x1x16xf32>
      tpu.vector_store %arg8[%swap3A_90, %swap3A_91, %swap3A_92], %swap3A_95 {strides = array<i32>} : memref<2x128x128xf32, #tpu.memory_space<vmem>>, vector<1x1x16xf32>,
      %broadcast_in_dim3A_96 = arith.constant 0.000000e+00 : f32
      %broadcast_in_dim3A_97 = vector.broadcast %broadcast_in_dim3A_96 : f32 to vector<16xf32>
      %swap3A_98 = arith.constant 0 : i32
      %swap3A_99 = arith.index_cast %swap3A_98 : i32 to index
      %swap3A_100 = arith.index_cast %scan3A_43 : i32 to index
      %swap3A_101 = arith.constant 96 : index
      %swap3A_102 = tpu.vector_load %arg8[%swap3A_99, %swap3A_100, %swap3A_101] {strides = array<i32>} : memref<2x128x128xf32, #tpu.memory_space<vmem>>, vector<1x1x16xf32>,
      %swap3A_103 = vector.shape_cast %swap3A_102 : vector<1x1x16xf32> to vector<16xf32>
      %swap3A_104 = vector.shape_cast %broadcast_in_dim3A_97 : vector<16xf32> to vector<1x1x16xf32>
      tpu.vector_store %arg8[%swap3A_99, %swap3A_100, %swap3A_101], %swap3A_104 {strides = array<i32>} : memref<2x128x128xf32, #tpu.memory_space<vmem>>, vector<1x1x16xf32>,
      %broadcast_in_dim3A_105 = arith.constant 0.000000e+00 : f32
      %broadcast_in_dim3A_106 = vector.broadcast %broadcast_in_dim3A_105 : f32 to vector<16xf32>
      %swap3A_107 = arith.constant 0 : i32
      %swap3A_108 = arith.index_cast %swap3A_107 : i32 to index
      %swap3A_109 = arith.index_cast %scan3A_43 : i32 to index
      %swap3A_110 = arith.constant 112 : index
      %swap3A_111 = tpu.vector_load %arg8[%swap3A_108, %swap3A_109, %swap3A_110] {strides = array<i32>} : memref<2x128x128xf32, #tpu.memory_space<vmem>>, vector<1x1x16xf32>,
      %swap3A_112 = vector.shape_cast %swap3A_111 : vector<1x1x16xf32> to vector<16xf32>
      %swap3A_113 = vector.shape_cast %broadcast_in_dim3A_106 : vector<16xf32> to vector<1x1x16xf32>
      tpu.vector_store %arg8[%swap3A_108, %swap3A_109, %swap3A_110], %swap3A_113 {strides = array<i32>} : memref<2x128x128xf32, #tpu.memory_space<vmem>>, vector<1x1x16xf32>,
    }
    %scan3A_5 = arith.constant 128 : i32
    %mul3A_6 = arith.constant 640 : i32
    %mul3A_7 = arith.muli %arg1, %mul3A_6 : i32
    %add3A_8 = arith.constant 0 : i32
    %add3A_9 = arith.addi %mul3A_7, %add3A_8 : i32
    %run_scoped3A = arith.constant 0 : i32
    "tpu.region"() ({
      %run_scoped3A_43 = tpu.sem_alloc : memref<!tpu.dma_semaphore, #tpu.memory_space<semaphore_mem>>
      %dma_start3A = arith.constant 0 : i32
      %dma_start3A_44 = arith.constant 0 : i32
      %dma_start3A_45 = tpu.memref_slice %arg8[%run_scoped3A, %dma_start3A, %dma_start3A_44] : memref<2x128x128xf32, #tpu.memory_space<vmem>> -> memref<1x128x128xf32, #tpu.memory_space<vmem>>
      %dma_start3A_46 = tpu.memref_squeeze %dma_start3A_45 : memref<1x128x128xf32, #tpu.memory_space<vmem>> -> memref<128x128xf32, #tpu.memory_space<vmem>>
      %dma_start3A_47 = arith.constant 0 : i32
      %dma_start3A_48 = tpu.memref_slice %arg9[%add3A_9, %dma_start3A_47] : memref<10240x128xf32, #tpu.memory_space<vmem_shared>> -> memref<128x128xf32, #tpu.memory_space<vmem_shared>>
      %dma_start3A_49 = arith.constant 0 : i32
      %dma_start3A_50 = tpu.memref_slice %arg9[%add3A_9, %dma_start3A_49] : memref<10240x128xf32, #tpu.memory_space<vmem_shared>> -> memref<128x128xf32, #tpu.memory_space<vmem_shared>>
      %dma_start3A_51 = arith.constant 0 : i32
      %dma_start3A_52 = arith.constant 0 : i32
      %dma_start3A_53 = tpu.memref_slice %arg8[%run_scoped3A, %dma_start3A_51, %dma_start3A_52] : memref<2x128x128xf32, #tpu.memory_space<vmem>> -> memref<1x128x128xf32, #tpu.memory_space<vmem>>
      %dma_start3A_54 = tpu.memref_squeeze %dma_start3A_53 : memref<1x128x128xf32, #tpu.memory_space<vmem>> -> memref<128x128xf32, #tpu.memory_space<vmem>>
      tpu.enqueue_dma source(%dma_start3A_54 : memref<128x128xf32, #tpu.memory_space<vmem>>) target(%dma_start3A_50 : memref<128x128xf32, #tpu.memory_space<vmem_shared>>) target_semaphore(%run_scoped3A_43 : memref<!tpu.dma_semaphore, #tpu.memory_space<semaphore_mem>>)
      %dma_wait3A = arith.constant 0 : i32
      %dma_wait3A_55 = arith.constant 0 : i32
      %dma_wait3A_56 = tpu.memref_slice %arg8[%run_scoped3A, %dma_wait3A, %dma_wait3A_55] : memref<2x128x128xf32, #tpu.memory_space<vmem>> -> memref<1x128x128xf32, #tpu.memory_space<vmem>>
      %dma_wait3A_57 = tpu.memref_squeeze %dma_wait3A_56 : memref<1x128x128xf32, #tpu.memory_space<vmem>> -> memref<128x128xf32, #tpu.memory_space<vmem>>
      %dma_wait3A_58 = arith.constant 0 : i32
      %dma_wait3A_59 = tpu.memref_slice %arg9[%add3A_9, %dma_wait3A_58] : memref<10240x128xf32, #tpu.memory_space<vmem_shared>> -> memref<128x128xf32, #tpu.memory_space<vmem_shared>>
      %dma_wait3A_60 = arith.constant 0 : i32
      %dma_wait3A_61 = tpu.memref_slice %arg9[%add3A_9, %dma_wait3A_60] : memref<10240x128xf32, #tpu.memory_space<vmem_shared>> -> memref<128x128xf32, #tpu.memory_space<vmem_shared>>
      %dma_wait3A_62 = arith.constant 0 : i32
      %dma_wait3A_63 = arith.constant 0 : i32
      %dma_wait3A_64 = tpu.memref_slice %arg8[%run_scoped3A, %dma_wait3A_62, %dma_wait3A_63] : memref<2x128x128xf32, #tpu.memory_space<vmem>> -> memref<1x128x128xf32, #tpu.memory_space<vmem>>
      %dma_wait3A_65 = tpu.memref_squeeze %dma_wait3A_64 : memref<1x128x128xf32, #tpu.memory_space<vmem>> -> memref<128x128xf32, #tpu.memory_space<vmem>>
      tpu.wait_dma2 semaphore(%run_scoped3A_43 : memref<!tpu.dma_semaphore, #tpu.memory_space<semaphore_mem>>) src(%dma_wait3A_65 : memref<128x128xf32, #tpu.memory_space<vmem>>) dst(%dma_wait3A_61 : memref<128x128xf32, #tpu.memory_space<vmem_shared>>)
      tpu.yield
    }) : () -> ()
    %mul3A_10 = arith.constant 640 : i32
    %mul3A_11 = arith.muli %arg1, %mul3A_10 : i32
    %add3A_12 = arith.constant 128 : i32
    %add3A_13 = arith.addi %mul3A_11, %add3A_12 : i32
    %run_scoped3A_14 = arith.constant 0 : i32
    "tpu.region"() ({
      %run_scoped3A_43 = tpu.sem_alloc : memref<!tpu.dma_semaphore, #tpu.memory_space<semaphore_mem>>
      %dma_start3A = arith.constant 0 : i32
      %dma_start3A_44 = arith.constant 0 : i32
      %dma_start3A_45 = tpu.memref_slice %arg8[%run_scoped3A_14, %dma_start3A, %dma_start3A_44] : memref<2x128x128xf32, #tpu.memory_space<vmem>> -> memref<1x128x128xf32, #tpu.memory_space<vmem>>
      %dma_start3A_46 = tpu.memref_squeeze %dma_start3A_45 : memref<1x128x128xf32, #tpu.memory_space<vmem>> -> memref<128x128xf32, #tpu.memory_space<vmem>>
      %dma_start3A_47 = arith.constant 0 : i32
      %dma_start3A_48 = tpu.memref_slice %arg9[%add3A_13, %dma_start3A_47] : memref<10240x128xf32, #tpu.memory_space<vmem_shared>> -> memref<128x128xf32, #tpu.memory_space<vmem_shared>>
      %dma_start3A_49 = arith.constant 0 : i32
      %dma_start3A_50 = tpu.memref_slice %arg9[%add3A_13, %dma_start3A_49] : memref<10240x128xf32, #tpu.memory_space<vmem_shared>> -> memref<128x128xf32, #tpu.memory_space<vmem_shared>>
      %dma_start3A_51 = arith.constant 0 : i32
      %dma_start3A_52 = arith.constant 0 : i32
      %dma_start3A_53 = tpu.memref_slice %arg8[%run_scoped3A_14, %dma_start3A_51, %dma_start3A_52] : memref<2x128x128xf32, #tpu.memory_space<vmem>> -> memref<1x128x128xf32, #tpu.memory_space<vmem>>
      %dma_start3A_54 = tpu.memref_squeeze %dma_start3A_53 : memref<1x128x128xf32, #tpu.memory_space<vmem>> -> memref<128x128xf32, #tpu.memory_space<vmem>>
      tpu.enqueue_dma source(%dma_start3A_54 : memref<128x128xf32, #tpu.memory_space<vmem>>) target(%dma_start3A_50 : memref<128x128xf32, #tpu.memory_space<vmem_shared>>) target_semaphore(%run_scoped3A_43 : memref<!tpu.dma_semaphore, #tpu.memory_space<semaphore_mem>>)
      %dma_wait3A = arith.constant 0 : i32
      %dma_wait3A_55 = arith.constant 0 : i32
      %dma_wait3A_56 = tpu.memref_slice %arg8[%run_scoped3A_14, %dma_wait3A, %dma_wait3A_55] : memref<2x128x128xf32, #tpu.memory_space<vmem>> -> memref<1x128x128xf32, #tpu.memory_space<vmem>>
      %dma_wait3A_57 = tpu.memref_squeeze %dma_wait3A_56 : memref<1x128x128xf32, #tpu.memory_space<vmem>> -> memref<128x128xf32, #tpu.memory_space<vmem>>
      %dma_wait3A_58 = arith.constant 0 : i32
      %dma_wait3A_59 = tpu.memref_slice %arg9[%add3A_13, %dma_wait3A_58] : memref<10240x128xf32, #tpu.memory_space<vmem_shared>> -> memref<128x128xf32, #tpu.memory_space<vmem_shared>>
      %dma_wait3A_60 = arith.constant 0 : i32
      %dma_wait3A_61 = tpu.memref_slice %arg9[%add3A_13, %dma_wait3A_60] : memref<10240x128xf32, #tpu.memory_space<vmem_shared>> -> memref<128x128xf32, #tpu.memory_space<vmem_shared>>
      %dma_wait3A_62 = arith.constant 0 : i32
      %dma_wait3A_63 = arith.constant 0 : i32
      %dma_wait3A_64 = tpu.memref_slice %arg8[%run_scoped3A_14, %dma_wait3A_62, %dma_wait3A_63] : memref<2x128x128xf32, #tpu.memory_space<vmem>> -> memref<1x128x128xf32, #tpu.memory_space<vmem>>
      %dma_wait3A_65 = tpu.memref_squeeze %dma_wait3A_64 : memref<1x128x128xf32, #tpu.memory_space<vmem>> -> memref<128x128xf32, #tpu.memory_space<vmem>>
      tpu.wait_dma2 semaphore(%run_scoped3A_43 : memref<!tpu.dma_semaphore, #tpu.memory_space<semaphore_mem>>) src(%dma_wait3A_65 : memref<128x128xf32, #tpu.memory_space<vmem>>) dst(%dma_wait3A_61 : memref<128x128xf32, #tpu.memory_space<vmem_shared>>)
      tpu.yield
    }) : () -> ()
    %mul3A_15 = arith.constant 640 : i32
    %mul3A_16 = arith.muli %arg1, %mul3A_15 : i32
    %add3A_17 = arith.constant 256 : i32
    %add3A_18 = arith.addi %mul3A_16, %add3A_17 : i32
    %run_scoped3A_19 = arith.constant 0 : i32
    "tpu.region"() ({
      %run_scoped3A_43 = tpu.sem_alloc : memref<!tpu.dma_semaphore, #tpu.memory_space<semaphore_mem>>
      %dma_start3A = arith.constant 0 : i32
      %dma_start3A_44 = arith.constant 0 : i32
      %dma_start3A_45 = tpu.memref_slice %arg8[%run_scoped3A_19, %dma_start3A, %dma_start3A_44] : memref<2x128x128xf32, #tpu.memory_space<vmem>> -> memref<1x128x128xf32, #tpu.memory_space<vmem>>
      %dma_start3A_46 = tpu.memref_squeeze %dma_start3A_45 : memref<1x128x128xf32, #tpu.memory_space<vmem>> -> memref<128x128xf32, #tpu.memory_space<vmem>>
      %dma_start3A_47 = arith.constant 0 : i32
      %dma_start3A_48 = tpu.memref_slice %arg9[%add3A_18, %dma_start3A_47] : memref<10240x128xf32, #tpu.memory_space<vmem_shared>> -> memref<128x128xf32, #tpu.memory_space<vmem_shared>>
      %dma_start3A_49 = arith.constant 0 : i32
      %dma_start3A_50 = tpu.memref_slice %arg9[%add3A_18, %dma_start3A_49] : memref<10240x128xf32, #tpu.memory_space<vmem_shared>> -> memref<128x128xf32, #tpu.memory_space<vmem_shared>>
      %dma_start3A_51 = arith.constant 0 : i32
      %dma_start3A_52 = arith.constant 0 : i32
      %dma_start3A_53 = tpu.memref_slice %arg8[%run_scoped3A_19, %dma_start3A_51, %dma_start3A_52] : memref<2x128x128xf32, #tpu.memory_space<vmem>> -> memref<1x128x128xf32, #tpu.memory_space<vmem>>
      %dma_start3A_54 = tpu.memref_squeeze %dma_start3A_53 : memref<1x128x128xf32, #tpu.memory_space<vmem>> -> memref<128x128xf32, #tpu.memory_space<vmem>>
      tpu.enqueue_dma source(%dma_start3A_54 : memref<128x128xf32, #tpu.memory_space<vmem>>) target(%dma_start3A_50 : memref<128x128xf32, #tpu.memory_space<vmem_shared>>) target_semaphore(%run_scoped3A_43 : memref<!tpu.dma_semaphore, #tpu.memory_space<semaphore_mem>>)
      %dma_wait3A = arith.constant 0 : i32
      %dma_wait3A_55 = arith.constant 0 : i32
      %dma_wait3A_56 = tpu.memref_slice %arg8[%run_scoped3A_19, %dma_wait3A, %dma_wait3A_55] : memref<2x128x128xf32, #tpu.memory_space<vmem>> -> memref<1x128x128xf32, #tpu.memory_space<vmem>>
      %dma_wait3A_57 = tpu.memref_squeeze %dma_wait3A_56 : memref<1x128x128xf32, #tpu.memory_space<vmem>> -> memref<128x128xf32, #tpu.memory_space<vmem>>
      %dma_wait3A_58 = arith.constant 0 : i32
      %dma_wait3A_59 = tpu.memref_slice %arg9[%add3A_18, %dma_wait3A_58] : memref<10240x128xf32, #tpu.memory_space<vmem_shared>> -> memref<128x128xf32, #tpu.memory_space<vmem_shared>>
      %dma_wait3A_60 = arith.constant 0 : i32
      %dma_wait3A_61 = tpu.memref_slice %arg9[%add3A_18, %dma_wait3A_60] : memref<10240x128xf32, #tpu.memory_space<vmem_shared>> -> memref<128x128xf32, #tpu.memory_space<vmem_shared>>
      %dma_wait3A_62 = arith.constant 0 : i32
      %dma_wait3A_63 = arith.constant 0 : i32
      %dma_wait3A_64 = tpu.memref_slice %arg8[%run_scoped3A_19, %dma_wait3A_62, %dma_wait3A_63] : memref<2x128x128xf32, #tpu.memory_space<vmem>> -> memref<1x128x128xf32, #tpu.memory_space<vmem>>
      %dma_wait3A_65 = tpu.memref_squeeze %dma_wait3A_64 : memref<1x128x128xf32, #tpu.memory_space<vmem>> -> memref<128x128xf32, #tpu.memory_space<vmem>>
      tpu.wait_dma2 semaphore(%run_scoped3A_43 : memref<!tpu.dma_semaphore, #tpu.memory_space<semaphore_mem>>) src(%dma_wait3A_65 : memref<128x128xf32, #tpu.memory_space<vmem>>) dst(%dma_wait3A_61 : memref<128x128xf32, #tpu.memory_space<vmem_shared>>)
      tpu.yield
    }) : () -> ()
    %mul3A_20 = arith.constant 640 : i32
    %mul3A_21 = arith.muli %arg1, %mul3A_20 : i32
    %add3A_22 = arith.constant 384 : i32
    %add3A_23 = arith.addi %mul3A_21, %add3A_22 : i32
    %run_scoped3A_24 = arith.constant 0 : i32
    "tpu.region"() ({
      %run_scoped3A_43 = tpu.sem_alloc : memref<!tpu.dma_semaphore, #tpu.memory_space<semaphore_mem>>
      %dma_start3A = arith.constant 0 : i32
      %dma_start3A_44 = arith.constant 0 : i32
      %dma_start3A_45 = tpu.memref_slice %arg8[%run_scoped3A_24, %dma_start3A, %dma_start3A_44] : memref<2x128x128xf32, #tpu.memory_space<vmem>> -> memref<1x128x128xf32, #tpu.memory_space<vmem>>
      %dma_start3A_46 = tpu.memref_squeeze %dma_start3A_45 : memref<1x128x128xf32, #tpu.memory_space<vmem>> -> memref<128x128xf32, #tpu.memory_space<vmem>>
      %dma_start3A_47 = arith.constant 0 : i32
      %dma_start3A_48 = tpu.memref_slice %arg9[%add3A_23, %dma_start3A_47] : memref<10240x128xf32, #tpu.memory_space<vmem_shared>> -> memref<128x128xf32, #tpu.memory_space<vmem_shared>>
      %dma_start3A_49 = arith.constant 0 : i32
      %dma_start3A_50 = tpu.memref_slice %arg9[%add3A_23, %dma_start3A_49] : memref<10240x128xf32, #tpu.memory_space<vmem_shared>> -> memref<128x128xf32, #tpu.memory_space<vmem_shared>>
      %dma_start3A_51 = arith.constant 0 : i32
      %dma_start3A_52 = arith.constant 0 : i32
      %dma_start3A_53 = tpu.memref_slice %arg8[%run_scoped3A_24, %dma_start3A_51, %dma_start3A_52] : memref<2x128x128xf32, #tpu.memory_space<vmem>> -> memref<1x128x128xf32, #tpu.memory_space<vmem>>
      %dma_start3A_54 = tpu.memref_squeeze %dma_start3A_53 : memref<1x128x128xf32, #tpu.memory_space<vmem>> -> memref<128x128xf32, #tpu.memory_space<vmem>>
      tpu.enqueue_dma source(%dma_start3A_54 : memref<128x128xf32, #tpu.memory_space<vmem>>) target(%dma_start3A_50 : memref<128x128xf32, #tpu.memory_space<vmem_shared>>) target_semaphore(%run_scoped3A_43 : memref<!tpu.dma_semaphore, #tpu.memory_space<semaphore_mem>>)
      %dma_wait3A = arith.constant 0 : i32
      %dma_wait3A_55 = arith.constant 0 : i32
      %dma_wait3A_56 = tpu.memref_slice %arg8[%run_scoped3A_24, %dma_wait3A, %dma_wait3A_55] : memref<2x128x128xf32, #tpu.memory_space<vmem>> -> memref<1x128x128xf32, #tpu.memory_space<vmem>>
      %dma_wait3A_57 = tpu.memref_squeeze %dma_wait3A_56 : memref<1x128x128xf32, #tpu.memory_space<vmem>> -> memref<128x128xf32, #tpu.memory_space<vmem>>
      %dma_wait3A_58 = arith.constant 0 : i32
      %dma_wait3A_59 = tpu.memref_slice %arg9[%add3A_23, %dma_wait3A_58] : memref<10240x128xf32, #tpu.memory_space<vmem_shared>> -> memref<128x128xf32, #tpu.memory_space<vmem_shared>>
      %dma_wait3A_60 = arith.constant 0 : i32
      %dma_wait3A_61 = tpu.memref_slice %arg9[%add3A_23, %dma_wait3A_60] : memref<10240x128xf32, #tpu.memory_space<vmem_shared>> -> memref<128x128xf32, #tpu.memory_space<vmem_shared>>
      %dma_wait3A_62 = arith.constant 0 : i32
      %dma_wait3A_63 = arith.constant 0 : i32
      %dma_wait3A_64 = tpu.memref_slice %arg8[%run_scoped3A_24, %dma_wait3A_62, %dma_wait3A_63] : memref<2x128x128xf32, #tpu.memory_space<vmem>> -> memref<1x128x128xf32, #tpu.memory_space<vmem>>
      %dma_wait3A_65 = tpu.memref_squeeze %dma_wait3A_64 : memref<1x128x128xf32, #tpu.memory_space<vmem>> -> memref<128x128xf32, #tpu.memory_space<vmem>>
      tpu.wait_dma2 semaphore(%run_scoped3A_43 : memref<!tpu.dma_semaphore, #tpu.memory_space<semaphore_mem>>) src(%dma_wait3A_65 : memref<128x128xf32, #tpu.memory_space<vmem>>) dst(%dma_wait3A_61 : memref<128x128xf32, #tpu.memory_space<vmem_shared>>)
      tpu.yield
    }) : () -> ()
    %mul3A_25 = arith.constant 640 : i32
    %mul3A_26 = arith.muli %arg1, %mul3A_25 : i32
    %add3A_27 = arith.constant 512 : i32
    %add3A_28 = arith.addi %mul3A_26, %add3A_27 : i32
    %run_scoped3A_29 = arith.constant 0 : i32
    "tpu.region"() ({
      %run_scoped3A_43 = tpu.sem_alloc : memref<!tpu.dma_semaphore, #tpu.memory_space<semaphore_mem>>
      %dma_start3A = arith.constant 0 : i32
      %dma_start3A_44 = arith.constant 0 : i32
      %dma_start3A_45 = tpu.memref_slice %arg8[%run_scoped3A_29, %dma_start3A, %dma_start3A_44] : memref<2x128x128xf32, #tpu.memory_space<vmem>> -> memref<1x128x128xf32, #tpu.memory_space<vmem>>
      %dma_start3A_46 = tpu.memref_squeeze %dma_start3A_45 : memref<1x128x128xf32, #tpu.memory_space<vmem>> -> memref<128x128xf32, #tpu.memory_space<vmem>>
      %dma_start3A_47 = arith.constant 0 : i32
      %dma_start3A_48 = tpu.memref_slice %arg9[%add3A_28, %dma_start3A_47] : memref<10240x128xf32, #tpu.memory_space<vmem_shared>> -> memref<128x128xf32, #tpu.memory_space<vmem_shared>>
      %dma_start3A_49 = arith.constant 0 : i32
      %dma_start3A_50 = tpu.memref_slice %arg9[%add3A_28, %dma_start3A_49] : memref<10240x128xf32, #tpu.memory_space<vmem_shared>> -> memref<128x128xf32, #tpu.memory_space<vmem_shared>>
      %dma_start3A_51 = arith.constant 0 : i32
      %dma_start3A_52 = arith.constant 0 : i32
      %dma_start3A_53 = tpu.memref_slice %arg8[%run_scoped3A_29, %dma_start3A_51, %dma_start3A_52] : memref<2x128x128xf32, #tpu.memory_space<vmem>> -> memref<1x128x128xf32, #tpu.memory_space<vmem>>
      %dma_start3A_54 = tpu.memref_squeeze %dma_start3A_53 : memref<1x128x128xf32, #tpu.memory_space<vmem>> -> memref<128x128xf32, #tpu.memory_space<vmem>>
      tpu.enqueue_dma source(%dma_start3A_54 : memref<128x128xf32, #tpu.memory_space<vmem>>) target(%dma_start3A_50 : memref<128x128xf32, #tpu.memory_space<vmem_shared>>) target_semaphore(%run_scoped3A_43 : memref<!tpu.dma_semaphore, #tpu.memory_space<semaphore_mem>>)
      %dma_wait3A = arith.constant 0 : i32
      %dma_wait3A_55 = arith.constant 0 : i32
      %dma_wait3A_56 = tpu.memref_slice %arg8[%run_scoped3A_29, %dma_wait3A, %dma_wait3A_55] : memref<2x128x128xf32, #tpu.memory_space<vmem>> -> memref<1x128x128xf32, #tpu.memory_space<vmem>>
      %dma_wait3A_57 = tpu.memref_squeeze %dma_wait3A_56 : memref<1x128x128xf32, #tpu.memory_space<vmem>> -> memref<128x128xf32, #tpu.memory_space<vmem>>
      %dma_wait3A_58 = arith.constant 0 : i32
      %dma_wait3A_59 = tpu.memref_slice %arg9[%add3A_28, %dma_wait3A_58] : memref<10240x128xf32, #tpu.memory_space<vmem_shared>> -> memref<128x128xf32, #tpu.memory_space<vmem_shared>>
      %dma_wait3A_60 = arith.constant 0 : i32
      %dma_wait3A_61 = tpu.memref_slice %arg9[%add3A_28, %dma_wait3A_60] : memref<10240x128xf32, #tpu.memory_space<vmem_shared>> -> memref<128x128xf32, #tpu.memory_space<vmem_shared>>
      %dma_wait3A_62 = arith.constant 0 : i32
      %dma_wait3A_63 = arith.constant 0 : i32
      %dma_wait3A_64 = tpu.memref_slice %arg8[%run_scoped3A_29, %dma_wait3A_62, %dma_wait3A_63] : memref<2x128x128xf32, #tpu.memory_space<vmem>> -> memref<1x128x128xf32, #tpu.memory_space<vmem>>
      %dma_wait3A_65 = tpu.memref_squeeze %dma_wait3A_64 : memref<1x128x128xf32, #tpu.memory_space<vmem>> -> memref<128x128xf32, #tpu.memory_space<vmem>>
      tpu.wait_dma2 semaphore(%run_scoped3A_43 : memref<!tpu.dma_semaphore, #tpu.memory_space<semaphore_mem>>) src(%dma_wait3A_65 : memref<128x128xf32, #tpu.memory_space<vmem>>) dst(%dma_wait3A_61 : memref<128x128xf32, #tpu.memory_space<vmem_shared>>)
      tpu.yield
    }) : () -> ()
    %barrier3A = arith.constant 0 : index
    tpu.barrier barrier_id(%barrier3A)
    %run_scoped3A_30 = arith.constant 0 : i32
    "tpu.region"() ({
      %run_scoped3A_43 = tpu.sem_alloc : memref<!tpu.dma_semaphore, #tpu.memory_space<semaphore_mem>>
      %dma_start3A = arith.constant 0 : i32
      %dma_start3A_44 = arith.constant 0 : i32
      %dma_start3A_45 = tpu.memref_slice %arg6[%run_scoped3A_30, %dma_start3A, %dma_start3A_44] : memref<2x8x128xi32, #tpu.memory_space<vmem>> -> memref<1x8x128xi32, #tpu.memory_space<vmem>>
      %dma_start3A_46 = tpu.memref_squeeze %dma_start3A_45 : memref<1x8x128xi32, #tpu.memory_space<vmem>> -> memref<8x128xi32, #tpu.memory_space<vmem>>
      %dma_start3A_47 = arith.constant 0 : i32
      %dma_start3A_48 = arith.constant 0 : i32
      %dma_start3A_49 = tpu.memref_slice %arg3[%add3A, %dma_start3A_47, %dma_start3A_48] : memref<32x80x128xi32, #tpu.memory_space<hbm>> -> memref<1x8x128xi32, #tpu.memory_space<hbm>>
      %dma_start3A_50 = tpu.memref_squeeze %dma_start3A_49 : memref<1x8x128xi32, #tpu.memory_space<hbm>> -> memref<8x128xi32, #tpu.memory_space<hbm>>
      %dma_start3A_51 = arith.constant 0 : i32
      %dma_start3A_52 = arith.constant 0 : i32
      %dma_start3A_53 = tpu.memref_slice %arg6[%run_scoped3A_30, %dma_start3A_51, %dma_start3A_52] : memref<2x8x128xi32, #tpu.memory_space<vmem>> -> memref<1x8x128xi32, #tpu.memory_space<vmem>>
      %dma_start3A_54 = tpu.memref_squeeze %dma_start3A_53 : memref<1x8x128xi32, #tpu.memory_space<vmem>> -> memref<8x128xi32, #tpu.memory_space<vmem>>
      %dma_start3A_55 = arith.constant 0 : i32
      %dma_start3A_56 = arith.constant 0 : i32
      %dma_start3A_57 = tpu.memref_slice %arg3[%add3A, %dma_start3A_55, %dma_start3A_56] : memref<32x80x128xi32, #tpu.memory_space<hbm>> -> memref<1x8x128xi32, #tpu.memory_space<hbm>>
      %dma_start3A_58 = tpu.memref_squeeze %dma_start3A_57 : memref<1x8x128xi32, #tpu.memory_space<hbm>> -> memref<8x128xi32, #tpu.memory_space<hbm>>
      tpu.enqueue_dma source(%dma_start3A_58 : memref<8x128xi32, #tpu.memory_space<hbm>>) target(%dma_start3A_54 : memref<8x128xi32, #tpu.memory_space<vmem>>) target_semaphore(%run_scoped3A_43 : memref<!tpu.dma_semaphore, #tpu.memory_space<semaphore_mem>>)
      %dma_wait3A = arith.constant 0 : i32
      %dma_wait3A_59 = arith.constant 0 : i32
      %dma_wait3A_60 = tpu.memref_slice %arg6[%run_scoped3A_30, %dma_wait3A, %dma_wait3A_59] : memref<2x8x128xi32, #tpu.memory_space<vmem>> -> memref<1x8x128xi32, #tpu.memory_space<vmem>>
      %dma_wait3A_61 = tpu.memref_squeeze %dma_wait3A_60 : memref<1x8x128xi32, #tpu.memory_space<vmem>> -> memref<8x128xi32, #tpu.memory_space<vmem>>
      %dma_wait3A_62 = arith.constant 0 : i32
      %dma_wait3A_63 = arith.constant 0 : i32
      %dma_wait3A_64 = tpu.memref_slice %arg3[%add3A, %dma_wait3A_62, %dma_wait3A_63] : memref<32x80x128xi32, #tpu.memory_space<hbm>> -> memref<1x8x128xi32, #tpu.memory_space<hbm>>
      %dma_wait3A_65 = tpu.memref_squeeze %dma_wait3A_64 : memref<1x8x128xi32, #tpu.memory_space<hbm>> -> memref<8x128xi32, #tpu.memory_space<hbm>>
      %dma_wait3A_66 = arith.constant 0 : i32
      %dma_wait3A_67 = arith.constant 0 : i32
      %dma_wait3A_68 = tpu.memref_slice %arg6[%run_scoped3A_30, %dma_wait3A_66, %dma_wait3A_67] : memref<2x8x128xi32, #tpu.memory_space<vmem>> -> memref<1x8x128xi32, #tpu.memory_space<vmem>>
      %dma_wait3A_69 = tpu.memref_squeeze %dma_wait3A_68 : memref<1x8x128xi32, #tpu.memory_space<vmem>> -> memref<8x128xi32, #tpu.memory_space<vmem>>
      %dma_wait3A_70 = arith.constant 0 : i32
      %dma_wait3A_71 = arith.constant 0 : i32
      %dma_wait3A_72 = tpu.memref_slice %arg3[%add3A, %dma_wait3A_70, %dma_wait3A_71] : memref<32x80x128xi32, #tpu.memory_space<hbm>> -> memref<1x8x128xi32, #tpu.memory_space<hbm>>
      %dma_wait3A_73 = tpu.memref_squeeze %dma_wait3A_72 : memref<1x8x128xi32, #tpu.memory_space<hbm>> -> memref<8x128xi32, #tpu.memory_space<hbm>>
      tpu.wait_dma2 semaphore(%run_scoped3A_43 : memref<!tpu.dma_semaphore, #tpu.memory_space<semaphore_mem>>) src(%dma_wait3A_73 : memref<8x128xi32, #tpu.memory_space<hbm>>) dst(%dma_wait3A_69 : memref<8x128xi32, #tpu.memory_space<vmem>>)
      tpu.yield
    }) : () -> ()
    %run_scoped3A_31 = arith.constant 0 : i32
    "tpu.region"() ({
      %run_scoped3A_43 = tpu.sem_alloc : memref<!tpu.dma_semaphore, #tpu.memory_space<semaphore_mem>>
      %dma_start3A = arith.constant 0 : i32
      %dma_start3A_44 = arith.constant 0 : i32
      %dma_start3A_45 = tpu.memref_slice %arg7[%run_scoped3A_31, %dma_start3A, %dma_start3A_44] : memref<2x8x128xi32, #tpu.memory_space<vmem>> -> memref<1x8x128xi32, #tpu.memory_space<vmem>>
      %dma_start3A_46 = tpu.memref_squeeze %dma_start3A_45 : memref<1x8x128xi32, #tpu.memory_space<vmem>> -> memref<8x128xi32, #tpu.memory_space<vmem>>
      %dma_start3A_47 = arith.constant 0 : i32
      %dma_start3A_48 = arith.constant 0 : i32
      %dma_start3A_49 = tpu.memref_slice %arg4[%add3A, %dma_start3A_47, %dma_start3A_48] : memref<32x80x128xi32, #tpu.memory_space<hbm>> -> memref<1x8x128xi32, #tpu.memory_space<hbm>>
      %dma_start3A_50 = tpu.memref_squeeze %dma_start3A_49 : memref<1x8x128xi32, #tpu.memory_space<hbm>> -> memref<8x128xi32, #tpu.memory_space<hbm>>
      %dma_start3A_51 = arith.constant 0 : i32
      %dma_start3A_52 = arith.constant 0 : i32
      %dma_start3A_53 = tpu.memref_slice %arg7[%run_scoped3A_31, %dma_start3A_51, %dma_start3A_52] : memref<2x8x128xi32, #tpu.memory_space<vmem>> -> memref<1x8x128xi32, #tpu.memory_space<vmem>>
      %dma_start3A_54 = tpu.memref_squeeze %dma_start3A_53 : memref<1x8x128xi32, #tpu.memory_space<vmem>> -> memref<8x128xi32, #tpu.memory_space<vmem>>
      %dma_start3A_55 = arith.constant 0 : i32
      %dma_start3A_56 = arith.constant 0 : i32
      %dma_start3A_57 = tpu.memref_slice %arg4[%add3A, %dma_start3A_55, %dma_start3A_56] : memref<32x80x128xi32, #tpu.memory_space<hbm>> -> memref<1x8x128xi32, #tpu.memory_space<hbm>>
      %dma_start3A_58 = tpu.memref_squeeze %dma_start3A_57 : memref<1x8x128xi32, #tpu.memory_space<hbm>> -> memref<8x128xi32, #tpu.memory_space<hbm>>
      tpu.enqueue_dma source(%dma_start3A_58 : memref<8x128xi32, #tpu.memory_space<hbm>>) target(%dma_start3A_54 : memref<8x128xi32, #tpu.memory_space<vmem>>) target_semaphore(%run_scoped3A_43 : memref<!tpu.dma_semaphore, #tpu.memory_space<semaphore_mem>>)
      %dma_wait3A = arith.constant 0 : i32
      %dma_wait3A_59 = arith.constant 0 : i32
      %dma_wait3A_60 = tpu.memref_slice %arg7[%run_scoped3A_31, %dma_wait3A, %dma_wait3A_59] : memref<2x8x128xi32, #tpu.memory_space<vmem>> -> memref<1x8x128xi32, #tpu.memory_space<vmem>>
      %dma_wait3A_61 = tpu.memref_squeeze %dma_wait3A_60 : memref<1x8x128xi32, #tpu.memory_space<vmem>> -> memref<8x128xi32, #tpu.memory_space<vmem>>
      %dma_wait3A_62 = arith.constant 0 : i32
      %dma_wait3A_63 = arith.constant 0 : i32
      %dma_wait3A_64 = tpu.memref_slice %arg4[%add3A, %dma_wait3A_62, %dma_wait3A_63] : memref<32x80x128xi32, #tpu.memory_space<hbm>> -> memref<1x8x128xi32, #tpu.memory_space<hbm>>
      %dma_wait3A_65 = tpu.memref_squeeze %dma_wait3A_64 : memref<1x8x128xi32, #tpu.memory_space<hbm>> -> memref<8x128xi32, #tpu.memory_space<hbm>>
      %dma_wait3A_66 = arith.constant 0 : i32
      %dma_wait3A_67 = arith.constant 0 : i32
      %dma_wait3A_68 = tpu.memref_slice %arg7[%run_scoped3A_31, %dma_wait3A_66, %dma_wait3A_67] : memref<2x8x128xi32, #tpu.memory_space<vmem>> -> memref<1x8x128xi32, #tpu.memory_space<vmem>>
      %dma_wait3A_69 = tpu.memref_squeeze %dma_wait3A_68 : memref<1x8x128xi32, #tpu.memory_space<vmem>> -> memref<8x128xi32, #tpu.memory_space<vmem>>
      %dma_wait3A_70 = arith.constant 0 : i32
      %dma_wait3A_71 = arith.constant 0 : i32
      %dma_wait3A_72 = tpu.memref_slice %arg4[%add3A, %dma_wait3A_70, %dma_wait3A_71] : memref<32x80x128xi32, #tpu.memory_space<hbm>> -> memref<1x8x128xi32, #tpu.memory_space<hbm>>
      %dma_wait3A_73 = tpu.memref_squeeze %dma_wait3A_72 : memref<1x8x128xi32, #tpu.memory_space<hbm>> -> memref<8x128xi32, #tpu.memory_space<hbm>>
      tpu.wait_dma2 semaphore(%run_scoped3A_43 : memref<!tpu.dma_semaphore, #tpu.memory_space<semaphore_mem>>) src(%dma_wait3A_73 : memref<8x128xi32, #tpu.memory_space<hbm>>) dst(%dma_wait3A_69 : memref<8x128xi32, #tpu.memory_space<vmem>>)
      tpu.yield
    }) : () -> ()
    %scan3A_32 = arith.constant 0 : i32
    %scan3A_33 = arith.constant 0 : i32
    %scan3A_34 = arith.constant 10 : i32
    %scan3A_35 = arith.addi %scan3A_33, %scan3A_34 : i32
    %scan3A_36 = arith.constant 1 : i32
    scf.for %scan3A_43 = %scan3A_33 to %scan3A_35 step %scan3A_36  : i32 {
      %rem3A = arith.constant 2 : i32
      %rem3A_44 = arith.remsi %scan3A_43, %rem3A : i32
      %lt3A = arith.constant 9 : i32
      %lt3A_45 = arith.cmpi slt, %scan3A_43, %lt3A : i32
      %convert_element_type3A = arith.extui %lt3A_45 : i1 to i32
      %cond3A = arith.constant 0 : i32
      %cond3A_46 = arith.cmpi ne, %convert_element_type3A, %cond3A : i32
      scf.if %cond3A_46 {
        %add3A_434 = arith.constant 1 : i32
        %add3A_435 = arith.addi %scan3A_43, %add3A_434 : i32
        %mul3A_436 = arith.constant 8 : i32
        %mul3A_437 = arith.muli %add3A_435, %mul3A_436 : i32
        %sub3A = arith.constant 1 : i32
        %sub3A_438 = arith.subi %sub3A, %rem3A_44 : i32
        %dma_start3A_439 = arith.constant 0 : i32
        %dma_start3A_440 = arith.constant 0 : i32
        %dma_start3A_441 = tpu.memref_slice %arg6[%sub3A_438, %dma_start3A_439, %dma_start3A_440] : memref<2x8x128xi32, #tpu.memory_space<vmem>> -> memref<1x8x128xi32, #tpu.memory_space<vmem>>
        %dma_start3A_442 = tpu.memref_squeeze %dma_start3A_441 : memref<1x8x128xi32, #tpu.memory_space<vmem>> -> memref<8x128xi32, #tpu.memory_space<vmem>>
        %dma_start3A_443 = arith.constant 0 : i32
        %dma_start3A_444 = tpu.memref_slice %arg3[%add3A, %mul3A_437, %dma_start3A_443] : memref<32x80x128xi32, #tpu.memory_space<hbm>> -> memref<1x8x128xi32, #tpu.memory_space<hbm>>
        %dma_start3A_445 = tpu.memref_squeeze %dma_start3A_444 : memref<1x8x128xi32, #tpu.memory_space<hbm>> -> memref<8x128xi32, #tpu.memory_space<hbm>>
        %dma_start3A_446 = arith.constant 0 : i32
        %dma_start3A_447 = arith.constant 0 : i32
        %dma_start3A_448 = tpu.memref_slice %arg6[%sub3A_438, %dma_start3A_446, %dma_start3A_447] : memref<2x8x128xi32, #tpu.memory_space<vmem>> -> memref<1x8x128xi32, #tpu.memory_space<vmem>>
        %dma_start3A_449 = tpu.memref_squeeze %dma_start3A_448 : memref<1x8x128xi32, #tpu.memory_space<vmem>> -> memref<8x128xi32, #tpu.memory_space<vmem>>
        %dma_start3A_450 = arith.constant 0 : i32
        %dma_start3A_451 = tpu.memref_slice %arg3[%add3A, %mul3A_437, %dma_start3A_450] : memref<32x80x128xi32, #tpu.memory_space<hbm>> -> memref<1x8x128xi32, #tpu.memory_space<hbm>>
        %dma_start3A_452 = tpu.memref_squeeze %dma_start3A_451 : memref<1x8x128xi32, #tpu.memory_space<hbm>> -> memref<8x128xi32, #tpu.memory_space<hbm>>
        tpu.enqueue_dma source(%dma_start3A_452 : memref<8x128xi32, #tpu.memory_space<hbm>>) target(%dma_start3A_449 : memref<8x128xi32, #tpu.memory_space<vmem>>) target_semaphore(%arg12 : memref<!tpu.dma_semaphore, #tpu.memory_space<semaphore_mem>>)
        %add3A_453 = arith.constant 1 : i32
        %add3A_454 = arith.addi %scan3A_43, %add3A_453 : i32
        %mul3A_455 = arith.constant 8 : i32
        %mul3A_456 = arith.muli %add3A_454, %mul3A_455 : i32
        %sub3A_457 = arith.constant 1 : i32
        %sub3A_458 = arith.subi %sub3A_457, %rem3A_44 : i32
        %dma_start3A_459 = arith.constant 0 : i32
        %dma_start3A_460 = arith.constant 0 : i32
        %dma_start3A_461 = tpu.memref_slice %arg7[%sub3A_458, %dma_start3A_459, %dma_start3A_460] : memref<2x8x128xi32, #tpu.memory_space<vmem>> -> memref<1x8x128xi32, #tpu.memory_space<vmem>>
        %dma_start3A_462 = tpu.memref_squeeze %dma_start3A_461 : memref<1x8x128xi32, #tpu.memory_space<vmem>> -> memref<8x128xi32, #tpu.memory_space<vmem>>
        %dma_start3A_463 = arith.constant 0 : i32
        %dma_start3A_464 = tpu.memref_slice %arg4[%add3A, %mul3A_456, %dma_start3A_463] : memref<32x80x128xi32, #tpu.memory_space<hbm>> -> memref<1x8x128xi32, #tpu.memory_space<hbm>>
        %dma_start3A_465 = tpu.memref_squeeze %dma_start3A_464 : memref<1x8x128xi32, #tpu.memory_space<hbm>> -> memref<8x128xi32, #tpu.memory_space<hbm>>
        %dma_start3A_466 = arith.constant 0 : i32
        %dma_start3A_467 = arith.constant 0 : i32
        %dma_start3A_468 = tpu.memref_slice %arg7[%sub3A_458, %dma_start3A_466, %dma_start3A_467] : memref<2x8x128xi32, #tpu.memory_space<vmem>> -> memref<1x8x128xi32, #tpu.memory_space<vmem>>
        %dma_start3A_469 = tpu.memref_squeeze %dma_start3A_468 : memref<1x8x128xi32, #tpu.memory_space<vmem>> -> memref<8x128xi32, #tpu.memory_space<vmem>>
        %dma_start3A_470 = arith.constant 0 : i32
        %dma_start3A_471 = tpu.memref_slice %arg4[%add3A, %mul3A_456, %dma_start3A_470] : memref<32x80x128xi32, #tpu.memory_space<hbm>> -> memref<1x8x128xi32, #tpu.memory_space<hbm>>
        %dma_start3A_472 = tpu.memref_squeeze %dma_start3A_471 : memref<1x8x128xi32, #tpu.memory_space<hbm>> -> memref<8x128xi32, #tpu.memory_space<hbm>>
        tpu.enqueue_dma source(%dma_start3A_472 : memref<8x128xi32, #tpu.memory_space<hbm>>) target(%dma_start3A_469 : memref<8x128xi32, #tpu.memory_space<vmem>>) target_semaphore(%arg12 : memref<!tpu.dma_semaphore, #tpu.memory_space<semaphore_mem>>)
      } else {
      }
      %dma_start3A = arith.constant 0 : i32
      %dma_start3A_47 = arith.constant 0 : i32
      %dma_start3A_48 = arith.constant 0 : i32
      %dma_start3A_49 = arith.constant 0 : i32
      %dma_start3A_50 = tpu.memref_slice %arg8[%dma_start3A_47, %dma_start3A_48, %dma_start3A_49] : memref<2x128x128xf32, #tpu.memory_space<vmem>> -> memref<1x128x128xf32, #tpu.memory_space<vmem>>
      %dma_start3A_51 = tpu.memref_squeeze %dma_start3A_50 : memref<1x128x128xf32, #tpu.memory_space<vmem>> -> memref<128x128xf32, #tpu.memory_space<vmem>>
      %dma_start3A_52 = arith.constant 0 : i32
      %dma_start3A_53 = tpu.memref_slice %arg6[%rem3A_44, %dma_start3A, %dma_start3A_52] : memref<2x8x128xi32, #tpu.memory_space<vmem>> -> memref<1x1x128xi32, #tpu.memory_space<vmem>>
      %dma_start3A_54 = tpu.memref_squeeze %dma_start3A_53 : memref<1x1x128xi32, #tpu.memory_space<vmem>> -> memref<128xi32, #tpu.memory_space<vmem>>
      %dma_start3A_55 = arith.constant 0 : i32
      %dma_start3A_56 = arith.constant 0 : i32
      %dma_start3A_57 = tpu.memref_slice %arg2[%dma_start3A_55, %dma_start3A_56] : memref<10000x128xf32, #tpu.memory_space<hbm>> -> memref<10000x128xf32, #tpu.memory_space<hbm>>
      tpu.enqueue_indirect_dma source(%dma_start3A_57 : memref<10000x128xf32, #tpu.memory_space<hbm>>) target(%dma_start3A_51 : memref<128x128xf32, #tpu.memory_space<vmem>>) offsets(%dma_start3A_54 : memref<128xi32, #tpu.memory_space<vmem>>) semaphore(%arg10 : memref<!tpu.dma_semaphore, #tpu.memory_space<semaphore_mem>>)
      %dma_start3A_58 = arith.constant 1 : i32
      %dma_start3A_59 = arith.constant 1 : i32
      %dma_start3A_60 = arith.constant 0 : i32
      %dma_start3A_61 = arith.constant 0 : i32
      %dma_start3A_62 = tpu.memref_slice %arg8[%dma_start3A_59, %dma_start3A_60, %dma_start3A_61] : memref<2x128x128xf32, #tpu.memory_space<vmem>> -> memref<1x128x128xf32, #tpu.memory_space<vmem>>
      %dma_start3A_63 = tpu.memref_squeeze %dma_start3A_62 : memref<1x128x128xf32, #tpu.memory_space<vmem>> -> memref<128x128xf32, #tpu.memory_space<vmem>>
      %dma_start3A_64 = arith.constant 0 : i32
      %dma_start3A_65 = tpu.memref_slice %arg6[%rem3A_44, %dma_start3A_58, %dma_start3A_64] : memref<2x8x128xi32, #tpu.memory_space<vmem>> -> memref<1x1x128xi32, #tpu.memory_space<vmem>>
      %dma_start3A_66 = tpu.memref_squeeze %dma_start3A_65 : memref<1x1x128xi32, #tpu.memory_space<vmem>> -> memref<128xi32, #tpu.memory_space<vmem>>
      %dma_start3A_67 = arith.constant 0 : i32
      %dma_start3A_68 = arith.constant 0 : i32
      %dma_start3A_69 = tpu.memref_slice %arg2[%dma_start3A_67, %dma_start3A_68] : memref<10000x128xf32, #tpu.memory_space<hbm>> -> memref<10000x128xf32, #tpu.memory_space<hbm>>
      tpu.enqueue_indirect_dma source(%dma_start3A_69 : memref<10000x128xf32, #tpu.memory_space<hbm>>) target(%dma_start3A_63 : memref<128x128xf32, #tpu.memory_space<vmem>>) offsets(%dma_start3A_66 : memref<128xi32, #tpu.memory_space<vmem>>) semaphore(%arg10 : memref<!tpu.dma_semaphore, #tpu.memory_space<semaphore_mem>>)
      %dma_wait3A = arith.constant 0 : i32
      %dma_wait3A_70 = arith.constant 0 : i32
      %dma_wait3A_71 = arith.constant 0 : i32
      %dma_wait3A_72 = arith.constant 0 : i32
      %dma_wait3A_73 = tpu.memref_slice %arg8[%dma_wait3A_70, %dma_wait3A_71, %dma_wait3A_72] : memref<2x128x128xf32, #tpu.memory_space<vmem>> -> memref<1x128x128xf32, #tpu.memory_space<vmem>>
      %dma_wait3A_74 = tpu.memref_squeeze %dma_wait3A_73 : memref<1x128x128xf32, #tpu.memory_space<vmem>> -> memref<128x128xf32, #tpu.memory_space<vmem>>
      %dma_wait3A_75 = arith.constant 0 : i32
      %dma_wait3A_76 = tpu.memref_slice %arg6[%rem3A_44, %dma_wait3A, %dma_wait3A_75] : memref<2x8x128xi32, #tpu.memory_space<vmem>> -> memref<1x1x128xi32, #tpu.memory_space<vmem>>
      %dma_wait3A_77 = tpu.memref_squeeze %dma_wait3A_76 : memref<1x1x128xi32, #tpu.memory_space<vmem>> -> memref<128xi32, #tpu.memory_space<vmem>>
      %dma_wait3A_78 = arith.constant 0 : i32
      %dma_wait3A_79 = arith.constant 0 : i32
      %dma_wait3A_80 = tpu.memref_slice %arg2[%dma_wait3A_78, %dma_wait3A_79] : memref<10000x128xf32, #tpu.memory_space<hbm>> -> memref<10000x128xf32, #tpu.memory_space<hbm>>
      tpu.wait_indirect_dma semaphore(%arg10 : memref<!tpu.dma_semaphore, #tpu.memory_space<semaphore_mem>>) src(%dma_wait3A_80 : memref<10000x128xf32, #tpu.memory_space<hbm>>) dst(%dma_wait3A_74 : memref<128x128xf32, #tpu.memory_space<vmem>>)
      %dma_start3A_81 = arith.constant 0 : i32
      %dma_start3A_82 = arith.constant 0 : i32
      %dma_start3A_83 = arith.constant 0 : i32
      %dma_start3A_84 = arith.constant 0 : i32
      %dma_start3A_85 = tpu.memref_slice %arg8[%dma_start3A_81, %dma_start3A_83, %dma_start3A_84] : memref<2x128x128xf32, #tpu.memory_space<vmem>> -> memref<1x128x128xf32, #tpu.memory_space<vmem>>
      %dma_start3A_86 = tpu.memref_squeeze %dma_start3A_85 : memref<1x128x128xf32, #tpu.memory_space<vmem>> -> memref<128x128xf32, #tpu.memory_space<vmem>>
      %dma_start3A_87 = arith.constant 0 : i32
      %dma_start3A_88 = tpu.memref_slice %arg7[%rem3A_44, %dma_start3A_82, %dma_start3A_87] : memref<2x8x128xi32, #tpu.memory_space<vmem>> -> memref<1x1x128xi32, #tpu.memory_space<vmem>>
      %dma_start3A_89 = tpu.memref_squeeze %dma_start3A_88 : memref<1x1x128xi32, #tpu.memory_space<vmem>> -> memref<128xi32, #tpu.memory_space<vmem>>
      %dma_start3A_90 = arith.constant 0 : i32
      %dma_start3A_91 = arith.constant 0 : i32
      %dma_start3A_92 = tpu.memref_slice %arg9[%dma_start3A_90, %dma_start3A_91] : memref<10240x128xf32, #tpu.memory_space<vmem_shared>> -> memref<10240x128xf32, #tpu.memory_space<vmem_shared>>
      tpu.enqueue_indirect_dma source(%dma_start3A_86 : memref<128x128xf32, #tpu.memory_space<vmem>>) target(%dma_start3A_92 : memref<10240x128xf32, #tpu.memory_space<vmem_shared>>) offsets(%dma_start3A_89 : memref<128xi32, #tpu.memory_space<vmem>>) semaphore(%arg11 : memref<!tpu.dma_semaphore, #tpu.memory_space<semaphore_mem>>) {add = true}
      %dma_wait3A_93 = arith.constant 0 : i32
      %dma_wait3A_94 = arith.constant 0 : i32
      %dma_wait3A_95 = arith.constant 0 : i32
      %dma_wait3A_96 = arith.constant 0 : i32
      %dma_wait3A_97 = tpu.memref_slice %arg8[%dma_wait3A_93, %dma_wait3A_95, %dma_wait3A_96] : memref<2x128x128xf32, #tpu.memory_space<vmem>> -> memref<1x128x128xf32, #tpu.memory_space<vmem>>
      %dma_wait3A_98 = tpu.memref_squeeze %dma_wait3A_97 : memref<1x128x128xf32, #tpu.memory_space<vmem>> -> memref<128x128xf32, #tpu.memory_space<vmem>>
      %dma_wait3A_99 = arith.constant 0 : i32
      %dma_wait3A_100 = tpu.memref_slice %arg7[%rem3A_44, %dma_wait3A_94, %dma_wait3A_99] : memref<2x8x128xi32, #tpu.memory_space<vmem>> -> memref<1x1x128xi32, #tpu.memory_space<vmem>>
      %dma_wait3A_101 = tpu.memref_squeeze %dma_wait3A_100 : memref<1x1x128xi32, #tpu.memory_space<vmem>> -> memref<128xi32, #tpu.memory_space<vmem>>
      %dma_wait3A_102 = arith.constant 0 : i32
      %dma_wait3A_103 = arith.constant 0 : i32
      %dma_wait3A_104 = tpu.memref_slice %arg9[%dma_wait3A_102, %dma_wait3A_103] : memref<10240x128xf32, #tpu.memory_space<vmem_shared>> -> memref<10240x128xf32, #tpu.memory_space<vmem_shared>>
      tpu.wait_indirect_dma semaphore(%arg11 : memref<!tpu.dma_semaphore, #tpu.memory_space<semaphore_mem>>) src(%dma_wait3A_98 : memref<128x128xf32, #tpu.memory_space<vmem>>) dst(%dma_wait3A_104 : memref<10240x128xf32, #tpu.memory_space<vmem_shared>>)
      %dma_start3A_105 = arith.constant 2 : i32
      %dma_start3A_106 = arith.constant 0 : i32
      %dma_start3A_107 = arith.constant 0 : i32
      %dma_start3A_108 = arith.constant 0 : i32
      %dma_start3A_109 = tpu.memref_slice %arg8[%dma_start3A_106, %dma_start3A_107, %dma_start3A_108] : memref<2x128x128xf32, #tpu.memory_space<vmem>> -> memref<1x128x128xf32, #tpu.memory_space<vmem>>
      %dma_start3A_110 = tpu.memref_squeeze %dma_start3A_109 : memref<1x128x128xf32, #tpu.memory_space<vmem>> -> memref<128x128xf32, #tpu.memory_space<vmem>>
      %dma_start3A_111 = arith.constant 0 : i32
      %dma_start3A_112 = tpu.memref_slice %arg6[%rem3A_44, %dma_start3A_105, %dma_start3A_111] : memref<2x8x128xi32, #tpu.memory_space<vmem>> -> memref<1x1x128xi32, #tpu.memory_space<vmem>>
      %dma_start3A_113 = tpu.memref_squeeze %dma_start3A_112 : memref<1x1x128xi32, #tpu.memory_space<vmem>> -> memref<128xi32, #tpu.memory_space<vmem>>
      %dma_start3A_114 = arith.constant 0 : i32
      %dma_start3A_115 = arith.constant 0 : i32
      %dma_start3A_116 = tpu.memref_slice %arg2[%dma_start3A_114, %dma_start3A_115] : memref<10000x128xf32, #tpu.memory_space<hbm>> -> memref<10000x128xf32, #tpu.memory_space<hbm>>
      tpu.enqueue_indirect_dma source(%dma_start3A_116 : memref<10000x128xf32, #tpu.memory_space<hbm>>) target(%dma_start3A_110 : memref<128x128xf32, #tpu.memory_space<vmem>>) offsets(%dma_start3A_113 : memref<128xi32, #tpu.memory_space<vmem>>) semaphore(%arg10 : memref<!tpu.dma_semaphore, #tpu.memory_space<semaphore_mem>>)
      %dma_wait3A_117 = arith.constant 1 : i32
      %dma_wait3A_118 = arith.constant 1 : i32
      %dma_wait3A_119 = arith.constant 0 : i32
      %dma_wait3A_120 = arith.constant 0 : i32
      %dma_wait3A_121 = tpu.memref_slice %arg8[%dma_wait3A_118, %dma_wait3A_119, %dma_wait3A_120] : memref<2x128x128xf32, #tpu.memory_space<vmem>> -> memref<1x128x128xf32, #tpu.memory_space<vmem>>
      %dma_wait3A_122 = tpu.memref_squeeze %dma_wait3A_121 : memref<1x128x128xf32, #tpu.memory_space<vmem>> -> memref<128x128xf32, #tpu.memory_space<vmem>>
      %dma_wait3A_123 = arith.constant 0 : i32
      %dma_wait3A_124 = tpu.memref_slice %arg6[%rem3A_44, %dma_wait3A_117, %dma_wait3A_123] : memref<2x8x128xi32, #tpu.memory_space<vmem>> -> memref<1x1x128xi32, #tpu.memory_space<vmem>>
      %dma_wait3A_125 = tpu.memref_squeeze %dma_wait3A_124 : memref<1x1x128xi32, #tpu.memory_space<vmem>> -> memref<128xi32, #tpu.memory_space<vmem>>
      %dma_wait3A_126 = arith.constant 0 : i32
      %dma_wait3A_127 = arith.constant 0 : i32
      %dma_wait3A_128 = tpu.memref_slice %arg2[%dma_wait3A_126, %dma_wait3A_127] : memref<10000x128xf32, #tpu.memory_space<hbm>> -> memref<10000x128xf32, #tpu.memory_space<hbm>>
      tpu.wait_indirect_dma semaphore(%arg10 : memref<!tpu.dma_semaphore, #tpu.memory_space<semaphore_mem>>) src(%dma_wait3A_128 : memref<10000x128xf32, #tpu.memory_space<hbm>>) dst(%dma_wait3A_122 : memref<128x128xf32, #tpu.memory_space<vmem>>)
      %dma_start3A_129 = arith.constant 1 : i32
      %dma_start3A_130 = arith.constant 1 : i32
      %dma_start3A_131 = arith.constant 0 : i32
      %dma_start3A_132 = arith.constant 0 : i32
      %dma_start3A_133 = tpu.memref_slice %arg8[%dma_start3A_129, %dma_start3A_131, %dma_start3A_132] : memref<2x128x128xf32, #tpu.memory_space<vmem>> -> memref<1x128x128xf32, #tpu.memory_space<vmem>>
      %dma_start3A_134 = tpu.memref_squeeze %dma_start3A_133 : memref<1x128x128xf32, #tpu.memory_space<vmem>> -> memref<128x128xf32, #tpu.memory_space<vmem>>
      %dma_start3A_135 = arith.constant 0 : i32
      %dma_start3A_136 = tpu.memref_slice %arg7[%rem3A_44, %dma_start3A_130, %dma_start3A_135] : memref<2x8x128xi32, #tpu.memory_space<vmem>> -> memref<1x1x128xi32, #tpu.memory_space<vmem>>
      %dma_start3A_137 = tpu.memref_squeeze %dma_start3A_136 : memref<1x1x128xi32, #tpu.memory_space<vmem>> -> memref<128xi32, #tpu.memory_space<vmem>>
      %dma_start3A_138 = arith.constant 0 : i32
      %dma_start3A_139 = arith.constant 0 : i32
      %dma_start3A_140 = tpu.memref_slice %arg9[%dma_start3A_138, %dma_start3A_139] : memref<10240x128xf32, #tpu.memory_space<vmem_shared>> -> memref<10240x128xf32, #tpu.memory_space<vmem_shared>>
      tpu.enqueue_indirect_dma source(%dma_start3A_134 : memref<128x128xf32, #tpu.memory_space<vmem>>) target(%dma_start3A_140 : memref<10240x128xf32, #tpu.memory_space<vmem_shared>>) offsets(%dma_start3A_137 : memref<128xi32, #tpu.memory_space<vmem>>) semaphore(%arg11 : memref<!tpu.dma_semaphore, #tpu.memory_space<semaphore_mem>>) {add = true}
      %dma_wait3A_141 = arith.constant 1 : i32
      %dma_wait3A_142 = arith.constant 1 : i32
      %dma_wait3A_143 = arith.constant 0 : i32
      %dma_wait3A_144 = arith.constant 0 : i32
      %dma_wait3A_145 = tpu.memref_slice %arg8[%dma_wait3A_141, %dma_wait3A_143, %dma_wait3A_144] : memref<2x128x128xf32, #tpu.memory_space<vmem>> -> memref<1x128x128xf32, #tpu.memory_space<vmem>>
      %dma_wait3A_146 = tpu.memref_squeeze %dma_wait3A_145 : memref<1x128x128xf32, #tpu.memory_space<vmem>> -> memref<128x128xf32, #tpu.memory_space<vmem>>
      %dma_wait3A_147 = arith.constant 0 : i32
      %dma_wait3A_148 = tpu.memref_slice %arg7[%rem3A_44, %dma_wait3A_142, %dma_wait3A_147] : memref<2x8x128xi32, #tpu.memory_space<vmem>> -> memref<1x1x128xi32, #tpu.memory_space<vmem>>
      %dma_wait3A_149 = tpu.memref_squeeze %dma_wait3A_148 : memref<1x1x128xi32, #tpu.memory_space<vmem>> -> memref<128xi32, #tpu.memory_space<vmem>>
      %dma_wait3A_150 = arith.constant 0 : i32
      %dma_wait3A_151 = arith.constant 0 : i32
      %dma_wait3A_152 = tpu.memref_slice %arg9[%dma_wait3A_150, %dma_wait3A_151] : memref<10240x128xf32, #tpu.memory_space<vmem_shared>> -> memref<10240x128xf32, #tpu.memory_space<vmem_shared>>
      tpu.wait_indirect_dma semaphore(%arg11 : memref<!tpu.dma_semaphore, #tpu.memory_space<semaphore_mem>>) src(%dma_wait3A_146 : memref<128x128xf32, #tpu.memory_space<vmem>>) dst(%dma_wait3A_152 : memref<10240x128xf32, #tpu.memory_space<vmem_shared>>)
      %dma_start3A_153 = arith.constant 3 : i32
      %dma_start3A_154 = arith.constant 1 : i32
      %dma_start3A_155 = arith.constant 0 : i32
      %dma_start3A_156 = arith.constant 0 : i32
      %dma_start3A_157 = tpu.memref_slice %arg8[%dma_start3A_154, %dma_start3A_155, %dma_start3A_156] : memref<2x128x128xf32, #tpu.memory_space<vmem>> -> memref<1x128x128xf32, #tpu.memory_space<vmem>>
      %dma_start3A_158 = tpu.memref_squeeze %dma_start3A_157 : memref<1x128x128xf32, #tpu.memory_space<vmem>> -> memref<128x128xf32, #tpu.memory_space<vmem>>
      %dma_start3A_159 = arith.constant 0 : i32
      %dma_start3A_160 = tpu.memref_slice %arg6[%rem3A_44, %dma_start3A_153, %dma_start3A_159] : memref<2x8x128xi32, #tpu.memory_space<vmem>> -> memref<1x1x128xi32, #tpu.memory_space<vmem>>
      %dma_start3A_161 = tpu.memref_squeeze %dma_start3A_160 : memref<1x1x128xi32, #tpu.memory_space<vmem>> -> memref<128xi32, #tpu.memory_space<vmem>>
      %dma_start3A_162 = arith.constant 0 : i32
      %dma_start3A_163 = arith.constant 0 : i32
      %dma_start3A_164 = tpu.memref_slice %arg2[%dma_start3A_162, %dma_start3A_163] : memref<10000x128xf32, #tpu.memory_space<hbm>> -> memref<10000x128xf32, #tpu.memory_space<hbm>>
      tpu.enqueue_indirect_dma source(%dma_start3A_164 : memref<10000x128xf32, #tpu.memory_space<hbm>>) target(%dma_start3A_158 : memref<128x128xf32, #tpu.memory_space<vmem>>) offsets(%dma_start3A_161 : memref<128xi32, #tpu.memory_space<vmem>>) semaphore(%arg10 : memref<!tpu.dma_semaphore, #tpu.memory_space<semaphore_mem>>)
      %dma_wait3A_165 = arith.constant 2 : i32
      %dma_wait3A_166 = arith.constant 0 : i32
      %dma_wait3A_167 = arith.constant 0 : i32
      %dma_wait3A_168 = arith.constant 0 : i32
      %dma_wait3A_169 = tpu.memref_slice %arg8[%dma_wait3A_166, %dma_wait3A_167, %dma_wait3A_168] : memref<2x128x128xf32, #tpu.memory_space<vmem>> -> memref<1x128x128xf32, #tpu.memory_space<vmem>>
      %dma_wait3A_170 = tpu.memref_squeeze %dma_wait3A_169 : memref<1x128x128xf32, #tpu.memory_space<vmem>> -> memref<128x128xf32, #tpu.memory_space<vmem>>
      %dma_wait3A_171 = arith.constant 0 : i32
      %dma_wait3A_172 = tpu.memref_slice %arg6[%rem3A_44, %dma_wait3A_165, %dma_wait3A_171] : memref<2x8x128xi32, #tpu.memory_space<vmem>> -> memref<1x1x128xi32, #tpu.memory_space<vmem>>
      %dma_wait3A_173 = tpu.memref_squeeze %dma_wait3A_172 : memref<1x1x128xi32, #tpu.memory_space<vmem>> -> memref<128xi32, #tpu.memory_space<vmem>>
      %dma_wait3A_174 = arith.constant 0 : i32
      %dma_wait3A_175 = arith.constant 0 : i32
      %dma_wait3A_176 = tpu.memref_slice %arg2[%dma_wait3A_174, %dma_wait3A_175] : memref<10000x128xf32, #tpu.memory_space<hbm>> -> memref<10000x128xf32, #tpu.memory_space<hbm>>
      tpu.wait_indirect_dma semaphore(%arg10 : memref<!tpu.dma_semaphore, #tpu.memory_space<semaphore_mem>>) src(%dma_wait3A_176 : memref<10000x128xf32, #tpu.memory_space<hbm>>) dst(%dma_wait3A_170 : memref<128x128xf32, #tpu.memory_space<vmem>>)
      %dma_start3A_177 = arith.constant 0 : i32
      %dma_start3A_178 = arith.constant 2 : i32
      %dma_start3A_179 = arith.constant 0 : i32
      %dma_start3A_180 = arith.constant 0 : i32
      %dma_start3A_181 = tpu.memref_slice %arg8[%dma_start3A_177, %dma_start3A_179, %dma_start3A_180] : memref<2x128x128xf32, #tpu.memory_space<vmem>> -> memref<1x128x128xf32, #tpu.memory_space<vmem>>
      %dma_start3A_182 = tpu.memref_squeeze %dma_start3A_181 : memref<1x128x128xf32, #tpu.memory_space<vmem>> -> memref<128x128xf32, #tpu.memory_space<vmem>>
      %dma_start3A_183 = arith.constant 0 : i32
      %dma_start3A_184 = tpu.memref_slice %arg7[%rem3A_44, %dma_start3A_178, %dma_start3A_183] : memref<2x8x128xi32, #tpu.memory_space<vmem>> -> memref<1x1x128xi32, #tpu.memory_space<vmem>>
      %dma_start3A_185 = tpu.memref_squeeze %dma_start3A_184 : memref<1x1x128xi32, #tpu.memory_space<vmem>> -> memref<128xi32, #tpu.memory_space<vmem>>
      %dma_start3A_186 = arith.constant 0 : i32
      %dma_start3A_187 = arith.constant 0 : i32
      %dma_start3A_188 = tpu.memref_slice %arg9[%dma_start3A_186, %dma_start3A_187] : memref<10240x128xf32, #tpu.memory_space<vmem_shared>> -> memref<10240x128xf32, #tpu.memory_space<vmem_shared>>
      tpu.enqueue_indirect_dma source(%dma_start3A_182 : memref<128x128xf32, #tpu.memory_space<vmem>>) target(%dma_start3A_188 : memref<10240x128xf32, #tpu.memory_space<vmem_shared>>) offsets(%dma_start3A_185 : memref<128xi32, #tpu.memory_space<vmem>>) semaphore(%arg11 : memref<!tpu.dma_semaphore, #tpu.memory_space<semaphore_mem>>) {add = true}
      %dma_wait3A_189 = arith.constant 0 : i32
      %dma_wait3A_190 = arith.constant 2 : i32
      %dma_wait3A_191 = arith.constant 0 : i32
      %dma_wait3A_192 = arith.constant 0 : i32
      %dma_wait3A_193 = tpu.memref_slice %arg8[%dma_wait3A_189, %dma_wait3A_191, %dma_wait3A_192] : memref<2x128x128xf32, #tpu.memory_space<vmem>> -> memref<1x128x128xf32, #tpu.memory_space<vmem>>
      %dma_wait3A_194 = tpu.memref_squeeze %dma_wait3A_193 : memref<1x128x128xf32, #tpu.memory_space<vmem>> -> memref<128x128xf32, #tpu.memory_space<vmem>>
      %dma_wait3A_195 = arith.constant 0 : i32
      %dma_wait3A_196 = tpu.memref_slice %arg7[%rem3A_44, %dma_wait3A_190, %dma_wait3A_195] : memref<2x8x128xi32, #tpu.memory_space<vmem>> -> memref<1x1x128xi32, #tpu.memory_space<vmem>>
      %dma_wait3A_197 = tpu.memref_squeeze %dma_wait3A_196 : memref<1x1x128xi32, #tpu.memory_space<vmem>> -> memref<128xi32, #tpu.memory_space<vmem>>
      %dma_wait3A_198 = arith.constant 0 : i32
      %dma_wait3A_199 = arith.constant 0 : i32
      %dma_wait3A_200 = tpu.memref_slice %arg9[%dma_wait3A_198, %dma_wait3A_199] : memref<10240x128xf32, #tpu.memory_space<vmem_shared>> -> memref<10240x128xf32, #tpu.memory_space<vmem_shared>>
      tpu.wait_indirect_dma semaphore(%arg11 : memref<!tpu.dma_semaphore, #tpu.memory_space<semaphore_mem>>) src(%dma_wait3A_194 : memref<128x128xf32, #tpu.memory_space<vmem>>) dst(%dma_wait3A_200 : memref<10240x128xf32, #tpu.memory_space<vmem_shared>>)
      %dma_start3A_201 = arith.constant 4 : i32
      %dma_start3A_202 = arith.constant 0 : i32
      %dma_start3A_203 = arith.constant 0 : i32
      %dma_start3A_204 = arith.constant 0 : i32
      %dma_start3A_205 = tpu.memref_slice %arg8[%dma_start3A_202, %dma_start3A_203, %dma_start3A_204] : memref<2x128x128xf32, #tpu.memory_space<vmem>> -> memref<1x128x128xf32, #tpu.memory_space<vmem>>
      %dma_start3A_206 = tpu.memref_squeeze %dma_start3A_205 : memref<1x128x128xf32, #tpu.memory_space<vmem>> -> memref<128x128xf32, #tpu.memory_space<vmem>>
      %dma_start3A_207 = arith.constant 0 : i32
      %dma_start3A_208 = tpu.memref_slice %arg6[%rem3A_44, %dma_start3A_201, %dma_start3A_207] : memref<2x8x128xi32, #tpu.memory_space<vmem>> -> memref<1x1x128xi32, #tpu.memory_space<vmem>>
      %dma_start3A_209 = tpu.memref_squeeze %dma_start3A_208 : memref<1x1x128xi32, #tpu.memory_space<vmem>> -> memref<128xi32, #tpu.memory_space<vmem>>
      %dma_start3A_210 = arith.constant 0 : i32
      %dma_start3A_211 = arith.constant 0 : i32
      %dma_start3A_212 = tpu.memref_slice %arg2[%dma_start3A_210, %dma_start3A_211] : memref<10000x128xf32, #tpu.memory_space<hbm>> -> memref<10000x128xf32, #tpu.memory_space<hbm>>
      tpu.enqueue_indirect_dma source(%dma_start3A_212 : memref<10000x128xf32, #tpu.memory_space<hbm>>) target(%dma_start3A_206 : memref<128x128xf32, #tpu.memory_space<vmem>>) offsets(%dma_start3A_209 : memref<128xi32, #tpu.memory_space<vmem>>) semaphore(%arg10 : memref<!tpu.dma_semaphore, #tpu.memory_space<semaphore_mem>>)
      %dma_wait3A_213 = arith.constant 3 : i32
      %dma_wait3A_214 = arith.constant 1 : i32
      %dma_wait3A_215 = arith.constant 0 : i32
      %dma_wait3A_216 = arith.constant 0 : i32
      %dma_wait3A_217 = tpu.memref_slice %arg8[%dma_wait3A_214, %dma_wait3A_215, %dma_wait3A_216] : memref<2x128x128xf32, #tpu.memory_space<vmem>> -> memref<1x128x128xf32, #tpu.memory_space<vmem>>
      %dma_wait3A_218 = tpu.memref_squeeze %dma_wait3A_217 : memref<1x128x128xf32, #tpu.memory_space<vmem>> -> memref<128x128xf32, #tpu.memory_space<vmem>>
      %dma_wait3A_219 = arith.constant 0 : i32
      %dma_wait3A_220 = tpu.memref_slice %arg6[%rem3A_44, %dma_wait3A_213, %dma_wait3A_219] : memref<2x8x128xi32, #tpu.memory_space<vmem>> -> memref<1x1x128xi32, #tpu.memory_space<vmem>>
      %dma_wait3A_221 = tpu.memref_squeeze %dma_wait3A_220 : memref<1x1x128xi32, #tpu.memory_space<vmem>> -> memref<128xi32, #tpu.memory_space<vmem>>
      %dma_wait3A_222 = arith.constant 0 : i32
      %dma_wait3A_223 = arith.constant 0 : i32
      %dma_wait3A_224 = tpu.memref_slice %arg2[%dma_wait3A_222, %dma_wait3A_223] : memref<10000x128xf32, #tpu.memory_space<hbm>> -> memref<10000x128xf32, #tpu.memory_space<hbm>>
      tpu.wait_indirect_dma semaphore(%arg10 : memref<!tpu.dma_semaphore, #tpu.memory_space<semaphore_mem>>) src(%dma_wait3A_224 : memref<10000x128xf32, #tpu.memory_space<hbm>>) dst(%dma_wait3A_218 : memref<128x128xf32, #tpu.memory_space<vmem>>)
      %dma_start3A_225 = arith.constant 1 : i32
      %dma_start3A_226 = arith.constant 3 : i32
      %dma_start3A_227 = arith.constant 0 : i32
      %dma_start3A_228 = arith.constant 0 : i32
      %dma_start3A_229 = tpu.memref_slice %arg8[%dma_start3A_225, %dma_start3A_227, %dma_start3A_228] : memref<2x128x128xf32, #tpu.memory_space<vmem>> -> memref<1x128x128xf32, #tpu.memory_space<vmem>>
      %dma_start3A_230 = tpu.memref_squeeze %dma_start3A_229 : memref<1x128x128xf32, #tpu.memory_space<vmem>> -> memref<128x128xf32, #tpu.memory_space<vmem>>
      %dma_start3A_231 = arith.constant 0 : i32
      %dma_start3A_232 = tpu.memref_slice %arg7[%rem3A_44, %dma_start3A_226, %dma_start3A_231] : memref<2x8x128xi32, #tpu.memory_space<vmem>> -> memref<1x1x128xi32, #tpu.memory_space<vmem>>
      %dma_start3A_233 = tpu.memref_squeeze %dma_start3A_232 : memref<1x1x128xi32, #tpu.memory_space<vmem>> -> memref<128xi32, #tpu.memory_space<vmem>>
      %dma_start3A_234 = arith.constant 0 : i32
      %dma_start3A_235 = arith.constant 0 : i32
      %dma_start3A_236 = tpu.memref_slice %arg9[%dma_start3A_234, %dma_start3A_235] : memref<10240x128xf32, #tpu.memory_space<vmem_shared>> -> memref<10240x128xf32, #tpu.memory_space<vmem_shared>>
      tpu.enqueue_indirect_dma source(%dma_start3A_230 : memref<128x128xf32, #tpu.memory_space<vmem>>) target(%dma_start3A_236 : memref<10240x128xf32, #tpu.memory_space<vmem_shared>>) offsets(%dma_start3A_233 : memref<128xi32, #tpu.memory_space<vmem>>) semaphore(%arg11 : memref<!tpu.dma_semaphore, #tpu.memory_space<semaphore_mem>>) {add = true}
      %dma_wait3A_237 = arith.constant 1 : i32
      %dma_wait3A_238 = arith.constant 3 : i32
      %dma_wait3A_239 = arith.constant 0 : i32
      %dma_wait3A_240 = arith.constant 0 : i32
      %dma_wait3A_241 = tpu.memref_slice %arg8[%dma_wait3A_237, %dma_wait3A_239, %dma_wait3A_240] : memref<2x128x128xf32, #tpu.memory_space<vmem>> -> memref<1x128x128xf32, #tpu.memory_space<vmem>>
      %dma_wait3A_242 = tpu.memref_squeeze %dma_wait3A_241 : memref<1x128x128xf32, #tpu.memory_space<vmem>> -> memref<128x128xf32, #tpu.memory_space<vmem>>
      %dma_wait3A_243 = arith.constant 0 : i32
      %dma_wait3A_244 = tpu.memref_slice %arg7[%rem3A_44, %dma_wait3A_238, %dma_wait3A_243] : memref<2x8x128xi32, #tpu.memory_space<vmem>> -> memref<1x1x128xi32, #tpu.memory_space<vmem>>
      %dma_wait3A_245 = tpu.memref_squeeze %dma_wait3A_244 : memref<1x1x128xi32, #tpu.memory_space<vmem>> -> memref<128xi32, #tpu.memory_space<vmem>>
      %dma_wait3A_246 = arith.constant 0 : i32
      %dma_wait3A_247 = arith.constant 0 : i32
      %dma_wait3A_248 = tpu.memref_slice %arg9[%dma_wait3A_246, %dma_wait3A_247] : memref<10240x128xf32, #tpu.memory_space<vmem_shared>> -> memref<10240x128xf32, #tpu.memory_space<vmem_shared>>
      tpu.wait_indirect_dma semaphore(%arg11 : memref<!tpu.dma_semaphore, #tpu.memory_space<semaphore_mem>>) src(%dma_wait3A_242 : memref<128x128xf32, #tpu.memory_space<vmem>>) dst(%dma_wait3A_248 : memref<10240x128xf32, #tpu.memory_space<vmem_shared>>)
      %dma_start3A_249 = arith.constant 5 : i32
      %dma_start3A_250 = arith.constant 1 : i32
      %dma_start3A_251 = arith.constant 0 : i32
      %dma_start3A_252 = arith.constant 0 : i32
      %dma_start3A_253 = tpu.memref_slice %arg8[%dma_start3A_250, %dma_start3A_251, %dma_start3A_252] : memref<2x128x128xf32, #tpu.memory_space<vmem>> -> memref<1x128x128xf32, #tpu.memory_space<vmem>>
      %dma_start3A_254 = tpu.memref_squeeze %dma_start3A_253 : memref<1x128x128xf32, #tpu.memory_space<vmem>> -> memref<128x128xf32, #tpu.memory_space<vmem>>
      %dma_start3A_255 = arith.constant 0 : i32
      %dma_start3A_256 = tpu.memref_slice %arg6[%rem3A_44, %dma_start3A_249, %dma_start3A_255] : memref<2x8x128xi32, #tpu.memory_space<vmem>> -> memref<1x1x128xi32, #tpu.memory_space<vmem>>
      %dma_start3A_257 = tpu.memref_squeeze %dma_start3A_256 : memref<1x1x128xi32, #tpu.memory_space<vmem>> -> memref<128xi32, #tpu.memory_space<vmem>>
      %dma_start3A_258 = arith.constant 0 : i32
      %dma_start3A_259 = arith.constant 0 : i32
      %dma_start3A_260 = tpu.memref_slice %arg2[%dma_start3A_258, %dma_start3A_259] : memref<10000x128xf32, #tpu.memory_space<hbm>> -> memref<10000x128xf32, #tpu.memory_space<hbm>>
      tpu.enqueue_indirect_dma source(%dma_start3A_260 : memref<10000x128xf32, #tpu.memory_space<hbm>>) target(%dma_start3A_254 : memref<128x128xf32, #tpu.memory_space<vmem>>) offsets(%dma_start3A_257 : memref<128xi32, #tpu.memory_space<vmem>>) semaphore(%arg10 : memref<!tpu.dma_semaphore, #tpu.memory_space<semaphore_mem>>)
      %dma_wait3A_261 = arith.constant 4 : i32
      %dma_wait3A_262 = arith.constant 0 : i32
      %dma_wait3A_263 = arith.constant 0 : i32
      %dma_wait3A_264 = arith.constant 0 : i32
      %dma_wait3A_265 = tpu.memref_slice %arg8[%dma_wait3A_262, %dma_wait3A_263, %dma_wait3A_264] : memref<2x128x128xf32, #tpu.memory_space<vmem>> -> memref<1x128x128xf32, #tpu.memory_space<vmem>>
      %dma_wait3A_266 = tpu.memref_squeeze %dma_wait3A_265 : memref<1x128x128xf32, #tpu.memory_space<vmem>> -> memref<128x128xf32, #tpu.memory_space<vmem>>
      %dma_wait3A_267 = arith.constant 0 : i32
      %dma_wait3A_268 = tpu.memref_slice %arg6[%rem3A_44, %dma_wait3A_261, %dma_wait3A_267] : memref<2x8x128xi32, #tpu.memory_space<vmem>> -> memref<1x1x128xi32, #tpu.memory_space<vmem>>
      %dma_wait3A_269 = tpu.memref_squeeze %dma_wait3A_268 : memref<1x1x128xi32, #tpu.memory_space<vmem>> -> memref<128xi32, #tpu.memory_space<vmem>>
      %dma_wait3A_270 = arith.constant 0 : i32
      %dma_wait3A_271 = arith.constant 0 : i32
      %dma_wait3A_272 = tpu.memref_slice %arg2[%dma_wait3A_270, %dma_wait3A_271] : memref<10000x128xf32, #tpu.memory_space<hbm>> -> memref<10000x128xf32, #tpu.memory_space<hbm>>
      tpu.wait_indirect_dma semaphore(%arg10 : memref<!tpu.dma_semaphore, #tpu.memory_space<semaphore_mem>>) src(%dma_wait3A_272 : memref<10000x128xf32, #tpu.memory_space<hbm>>) dst(%dma_wait3A_266 : memref<128x128xf32, #tpu.memory_space<vmem>>)
      %dma_start3A_273 = arith.constant 0 : i32
      %dma_start3A_274 = arith.constant 4 : i32
      %dma_start3A_275 = arith.constant 0 : i32
      %dma_start3A_276 = arith.constant 0 : i32
      %dma_start3A_277 = tpu.memref_slice %arg8[%dma_start3A_273, %dma_start3A_275, %dma_start3A_276] : memref<2x128x128xf32, #tpu.memory_space<vmem>> -> memref<1x128x128xf32, #tpu.memory_space<vmem>>
      %dma_start3A_278 = tpu.memref_squeeze %dma_start3A_277 : memref<1x128x128xf32, #tpu.memory_space<vmem>> -> memref<128x128xf32, #tpu.memory_space<vmem>>
      %dma_start3A_279 = arith.constant 0 : i32
      %dma_start3A_280 = tpu.memref_slice %arg7[%rem3A_44, %dma_start3A_274, %dma_start3A_279] : memref<2x8x128xi32, #tpu.memory_space<vmem>> -> memref<1x1x128xi32, #tpu.memory_space<vmem>>
      %dma_start3A_281 = tpu.memref_squeeze %dma_start3A_280 : memref<1x1x128xi32, #tpu.memory_space<vmem>> -> memref<128xi32, #tpu.memory_space<vmem>>
      %dma_start3A_282 = arith.constant 0 : i32
      %dma_start3A_283 = arith.constant 0 : i32
      %dma_start3A_284 = tpu.memref_slice %arg9[%dma_start3A_282, %dma_start3A_283] : memref<10240x128xf32, #tpu.memory_space<vmem_shared>> -> memref<10240x128xf32, #tpu.memory_space<vmem_shared>>
      tpu.enqueue_indirect_dma source(%dma_start3A_278 : memref<128x128xf32, #tpu.memory_space<vmem>>) target(%dma_start3A_284 : memref<10240x128xf32, #tpu.memory_space<vmem_shared>>) offsets(%dma_start3A_281 : memref<128xi32, #tpu.memory_space<vmem>>) semaphore(%arg11 : memref<!tpu.dma_semaphore, #tpu.memory_space<semaphore_mem>>) {add = true}
      %dma_wait3A_285 = arith.constant 0 : i32
      %dma_wait3A_286 = arith.constant 4 : i32
      %dma_wait3A_287 = arith.constant 0 : i32
      %dma_wait3A_288 = arith.constant 0 : i32
      %dma_wait3A_289 = tpu.memref_slice %arg8[%dma_wait3A_285, %dma_wait3A_287, %dma_wait3A_288] : memref<2x128x128xf32, #tpu.memory_space<vmem>> -> memref<1x128x128xf32, #tpu.memory_space<vmem>>
      %dma_wait3A_290 = tpu.memref_squeeze %dma_wait3A_289 : memref<1x128x128xf32, #tpu.memory_space<vmem>> -> memref<128x128xf32, #tpu.memory_space<vmem>>
      %dma_wait3A_291 = arith.constant 0 : i32
      %dma_wait3A_292 = tpu.memref_slice %arg7[%rem3A_44, %dma_wait3A_286, %dma_wait3A_291] : memref<2x8x128xi32, #tpu.memory_space<vmem>> -> memref<1x1x128xi32, #tpu.memory_space<vmem>>
      %dma_wait3A_293 = tpu.memref_squeeze %dma_wait3A_292 : memref<1x1x128xi32, #tpu.memory_space<vmem>> -> memref<128xi32, #tpu.memory_space<vmem>>
      %dma_wait3A_294 = arith.constant 0 : i32
      %dma_wait3A_295 = arith.constant 0 : i32
      %dma_wait3A_296 = tpu.memref_slice %arg9[%dma_wait3A_294, %dma_wait3A_295] : memref<10240x128xf32, #tpu.memory_space<vmem_shared>> -> memref<10240x128xf32, #tpu.memory_space<vmem_shared>>
      tpu.wait_indirect_dma semaphore(%arg11 : memref<!tpu.dma_semaphore, #tpu.memory_space<semaphore_mem>>) src(%dma_wait3A_290 : memref<128x128xf32, #tpu.memory_space<vmem>>) dst(%dma_wait3A_296 : memref<10240x128xf32, #tpu.memory_space<vmem_shared>>)
      %dma_start3A_297 = arith.constant 6 : i32
      %dma_start3A_298 = arith.constant 0 : i32
      %dma_start3A_299 = arith.constant 0 : i32
      %dma_start3A_300 = arith.constant 0 : i32
      %dma_start3A_301 = tpu.memref_slice %arg8[%dma_start3A_298, %dma_start3A_299, %dma_start3A_300] : memref<2x128x128xf32, #tpu.memory_space<vmem>> -> memref<1x128x128xf32, #tpu.memory_space<vmem>>
      %dma_start3A_302 = tpu.memref_squeeze %dma_start3A_301 : memref<1x128x128xf32, #tpu.memory_space<vmem>> -> memref<128x128xf32, #tpu.memory_space<vmem>>
      %dma_start3A_303 = arith.constant 0 : i32
      %dma_start3A_304 = tpu.memref_slice %arg6[%rem3A_44, %dma_start3A_297, %dma_start3A_303] : memref<2x8x128xi32, #tpu.memory_space<vmem>> -> memref<1x1x128xi32, #tpu.memory_space<vmem>>
      %dma_start3A_305 = tpu.memref_squeeze %dma_start3A_304 : memref<1x1x128xi32, #tpu.memory_space<vmem>> -> memref<128xi32, #tpu.memory_space<vmem>>
      %dma_start3A_306 = arith.constant 0 : i32
      %dma_start3A_307 = arith.constant 0 : i32
      %dma_start3A_308 = tpu.memref_slice %arg2[%dma_start3A_306, %dma_start3A_307] : memref<10000x128xf32, #tpu.memory_space<hbm>> -> memref<10000x128xf32, #tpu.memory_space<hbm>>
      tpu.enqueue_indirect_dma source(%dma_start3A_308 : memref<10000x128xf32, #tpu.memory_space<hbm>>) target(%dma_start3A_302 : memref<128x128xf32, #tpu.memory_space<vmem>>) offsets(%dma_start3A_305 : memref<128xi32, #tpu.memory_space<vmem>>) semaphore(%arg10 : memref<!tpu.dma_semaphore, #tpu.memory_space<semaphore_mem>>)
      %dma_wait3A_309 = arith.constant 5 : i32
      %dma_wait3A_310 = arith.constant 1 : i32
      %dma_wait3A_311 = arith.constant 0 : i32
      %dma_wait3A_312 = arith.constant 0 : i32
      %dma_wait3A_313 = tpu.memref_slice %arg8[%dma_wait3A_310, %dma_wait3A_311, %dma_wait3A_312] : memref<2x128x128xf32, #tpu.memory_space<vmem>> -> memref<1x128x128xf32, #tpu.memory_space<vmem>>
      %dma_wait3A_314 = tpu.memref_squeeze %dma_wait3A_313 : memref<1x128x128xf32, #tpu.memory_space<vmem>> -> memref<128x128xf32, #tpu.memory_space<vmem>>
      %dma_wait3A_315 = arith.constant 0 : i32
      %dma_wait3A_316 = tpu.memref_slice %arg6[%rem3A_44, %dma_wait3A_309, %dma_wait3A_315] : memref<2x8x128xi32, #tpu.memory_space<vmem>> -> memref<1x1x128xi32, #tpu.memory_space<vmem>>
      %dma_wait3A_317 = tpu.memref_squeeze %dma_wait3A_316 : memref<1x1x128xi32, #tpu.memory_space<vmem>> -> memref<128xi32, #tpu.memory_space<vmem>>
      %dma_wait3A_318 = arith.constant 0 : i32
      %dma_wait3A_319 = arith.constant 0 : i32
      %dma_wait3A_320 = tpu.memref_slice %arg2[%dma_wait3A_318, %dma_wait3A_319] : memref<10000x128xf32, #tpu.memory_space<hbm>> -> memref<10000x128xf32, #tpu.memory_space<hbm>>
      tpu.wait_indirect_dma semaphore(%arg10 : memref<!tpu.dma_semaphore, #tpu.memory_space<semaphore_mem>>) src(%dma_wait3A_320 : memref<10000x128xf32, #tpu.memory_space<hbm>>) dst(%dma_wait3A_314 : memref<128x128xf32, #tpu.memory_space<vmem>>)
      %dma_start3A_321 = arith.constant 1 : i32
      %dma_start3A_322 = arith.constant 5 : i32
      %dma_start3A_323 = arith.constant 0 : i32
      %dma_start3A_324 = arith.constant 0 : i32
      %dma_start3A_325 = tpu.memref_slice %arg8[%dma_start3A_321, %dma_start3A_323, %dma_start3A_324] : memref<2x128x128xf32, #tpu.memory_space<vmem>> -> memref<1x128x128xf32, #tpu.memory_space<vmem>>
      %dma_start3A_326 = tpu.memref_squeeze %dma_start3A_325 : memref<1x128x128xf32, #tpu.memory_space<vmem>> -> memref<128x128xf32, #tpu.memory_space<vmem>>
      %dma_start3A_327 = arith.constant 0 : i32
      %dma_start3A_328 = tpu.memref_slice %arg7[%rem3A_44, %dma_start3A_322, %dma_start3A_327] : memref<2x8x128xi32, #tpu.memory_space<vmem>> -> memref<1x1x128xi32, #tpu.memory_space<vmem>>
      %dma_start3A_329 = tpu.memref_squeeze %dma_start3A_328 : memref<1x1x128xi32, #tpu.memory_space<vmem>> -> memref<128xi32, #tpu.memory_space<vmem>>
      %dma_start3A_330 = arith.constant 0 : i32
      %dma_start3A_331 = arith.constant 0 : i32
      %dma_start3A_332 = tpu.memref_slice %arg9[%dma_start3A_330, %dma_start3A_331] : memref<10240x128xf32, #tpu.memory_space<vmem_shared>> -> memref<10240x128xf32, #tpu.memory_space<vmem_shared>>
      tpu.enqueue_indirect_dma source(%dma_start3A_326 : memref<128x128xf32, #tpu.memory_space<vmem>>) target(%dma_start3A_332 : memref<10240x128xf32, #tpu.memory_space<vmem_shared>>) offsets(%dma_start3A_329 : memref<128xi32, #tpu.memory_space<vmem>>) semaphore(%arg11 : memref<!tpu.dma_semaphore, #tpu.memory_space<semaphore_mem>>) {add = true}
      %dma_wait3A_333 = arith.constant 1 : i32
      %dma_wait3A_334 = arith.constant 5 : i32
      %dma_wait3A_335 = arith.constant 0 : i32
      %dma_wait3A_336 = arith.constant 0 : i32
      %dma_wait3A_337 = tpu.memref_slice %arg8[%dma_wait3A_333, %dma_wait3A_335, %dma_wait3A_336] : memref<2x128x128xf32, #tpu.memory_space<vmem>> -> memref<1x128x128xf32, #tpu.memory_space<vmem>>
      %dma_wait3A_338 = tpu.memref_squeeze %dma_wait3A_337 : memref<1x128x128xf32, #tpu.memory_space<vmem>> -> memref<128x128xf32, #tpu.memory_space<vmem>>
      %dma_wait3A_339 = arith.constant 0 : i32
      %dma_wait3A_340 = tpu.memref_slice %arg7[%rem3A_44, %dma_wait3A_334, %dma_wait3A_339] : memref<2x8x128xi32, #tpu.memory_space<vmem>> -> memref<1x1x128xi32, #tpu.memory_space<vmem>>
      %dma_wait3A_341 = tpu.memref_squeeze %dma_wait3A_340 : memref<1x1x128xi32, #tpu.memory_space<vmem>> -> memref<128xi32, #tpu.memory_space<vmem>>
      %dma_wait3A_342 = arith.constant 0 : i32
      %dma_wait3A_343 = arith.constant 0 : i32
      %dma_wait3A_344 = tpu.memref_slice %arg9[%dma_wait3A_342, %dma_wait3A_343] : memref<10240x128xf32, #tpu.memory_space<vmem_shared>> -> memref<10240x128xf32, #tpu.memory_space<vmem_shared>>
      tpu.wait_indirect_dma semaphore(%arg11 : memref<!tpu.dma_semaphore, #tpu.memory_space<semaphore_mem>>) src(%dma_wait3A_338 : memref<128x128xf32, #tpu.memory_space<vmem>>) dst(%dma_wait3A_344 : memref<10240x128xf32, #tpu.memory_space<vmem_shared>>)
      %dma_start3A_345 = arith.constant 7 : i32
      %dma_start3A_346 = arith.constant 1 : i32
      %dma_start3A_347 = arith.constant 0 : i32
      %dma_start3A_348 = arith.constant 0 : i32
      %dma_start3A_349 = tpu.memref_slice %arg8[%dma_start3A_346, %dma_start3A_347, %dma_start3A_348] : memref<2x128x128xf32, #tpu.memory_space<vmem>> -> memref<1x128x128xf32, #tpu.memory_space<vmem>>
      %dma_start3A_350 = tpu.memref_squeeze %dma_start3A_349 : memref<1x128x128xf32, #tpu.memory_space<vmem>> -> memref<128x128xf32, #tpu.memory_space<vmem>>
      %dma_start3A_351 = arith.constant 0 : i32
      %dma_start3A_352 = tpu.memref_slice %arg6[%rem3A_44, %dma_start3A_345, %dma_start3A_351] : memref<2x8x128xi32, #tpu.memory_space<vmem>> -> memref<1x1x128xi32, #tpu.memory_space<vmem>>
      %dma_start3A_353 = tpu.memref_squeeze %dma_start3A_352 : memref<1x1x128xi32, #tpu.memory_space<vmem>> -> memref<128xi32, #tpu.memory_space<vmem>>
      %dma_start3A_354 = arith.constant 0 : i32
      %dma_start3A_355 = arith.constant 0 : i32
      %dma_start3A_356 = tpu.memref_slice %arg2[%dma_start3A_354, %dma_start3A_355] : memref<10000x128xf32, #tpu.memory_space<hbm>> -> memref<10000x128xf32, #tpu.memory_space<hbm>>
      tpu.enqueue_indirect_dma source(%dma_start3A_356 : memref<10000x128xf32, #tpu.memory_space<hbm>>) target(%dma_start3A_350 : memref<128x128xf32, #tpu.memory_space<vmem>>) offsets(%dma_start3A_353 : memref<128xi32, #tpu.memory_space<vmem>>) semaphore(%arg10 : memref<!tpu.dma_semaphore, #tpu.memory_space<semaphore_mem>>)
      %dma_wait3A_357 = arith.constant 6 : i32
      %dma_wait3A_358 = arith.constant 0 : i32
      %dma_wait3A_359 = arith.constant 0 : i32
      %dma_wait3A_360 = arith.constant 0 : i32
      %dma_wait3A_361 = tpu.memref_slice %arg8[%dma_wait3A_358, %dma_wait3A_359, %dma_wait3A_360] : memref<2x128x128xf32, #tpu.memory_space<vmem>> -> memref<1x128x128xf32, #tpu.memory_space<vmem>>
      %dma_wait3A_362 = tpu.memref_squeeze %dma_wait3A_361 : memref<1x128x128xf32, #tpu.memory_space<vmem>> -> memref<128x128xf32, #tpu.memory_space<vmem>>
      %dma_wait3A_363 = arith.constant 0 : i32
      %dma_wait3A_364 = tpu.memref_slice %arg6[%rem3A_44, %dma_wait3A_357, %dma_wait3A_363] : memref<2x8x128xi32, #tpu.memory_space<vmem>> -> memref<1x1x128xi32, #tpu.memory_space<vmem>>
      %dma_wait3A_365 = tpu.memref_squeeze %dma_wait3A_364 : memref<1x1x128xi32, #tpu.memory_space<vmem>> -> memref<128xi32, #tpu.memory_space<vmem>>
      %dma_wait3A_366 = arith.constant 0 : i32
      %dma_wait3A_367 = arith.constant 0 : i32
      %dma_wait3A_368 = tpu.memref_slice %arg2[%dma_wait3A_366, %dma_wait3A_367] : memref<10000x128xf32, #tpu.memory_space<hbm>> -> memref<10000x128xf32, #tpu.memory_space<hbm>>
      tpu.wait_indirect_dma semaphore(%arg10 : memref<!tpu.dma_semaphore, #tpu.memory_space<semaphore_mem>>) src(%dma_wait3A_368 : memref<10000x128xf32, #tpu.memory_space<hbm>>) dst(%dma_wait3A_362 : memref<128x128xf32, #tpu.memory_space<vmem>>)
      %dma_start3A_369 = arith.constant 0 : i32
      %dma_start3A_370 = arith.constant 6 : i32
      %dma_start3A_371 = arith.constant 0 : i32
      %dma_start3A_372 = arith.constant 0 : i32
      %dma_start3A_373 = tpu.memref_slice %arg8[%dma_start3A_369, %dma_start3A_371, %dma_start3A_372] : memref<2x128x128xf32, #tpu.memory_space<vmem>> -> memref<1x128x128xf32, #tpu.memory_space<vmem>>
      %dma_start3A_374 = tpu.memref_squeeze %dma_start3A_373 : memref<1x128x128xf32, #tpu.memory_space<vmem>> -> memref<128x128xf32, #tpu.memory_space<vmem>>
      %dma_start3A_375 = arith.constant 0 : i32
      %dma_start3A_376 = tpu.memref_slice %arg7[%rem3A_44, %dma_start3A_370, %dma_start3A_375] : memref<2x8x128xi32, #tpu.memory_space<vmem>> -> memref<1x1x128xi32, #tpu.memory_space<vmem>>
      %dma_start3A_377 = tpu.memref_squeeze %dma_start3A_376 : memref<1x1x128xi32, #tpu.memory_space<vmem>> -> memref<128xi32, #tpu.memory_space<vmem>>
      %dma_start3A_378 = arith.constant 0 : i32
      %dma_start3A_379 = arith.constant 0 : i32
      %dma_start3A_380 = tpu.memref_slice %arg9[%dma_start3A_378, %dma_start3A_379] : memref<10240x128xf32, #tpu.memory_space<vmem_shared>> -> memref<10240x128xf32, #tpu.memory_space<vmem_shared>>
      tpu.enqueue_indirect_dma source(%dma_start3A_374 : memref<128x128xf32, #tpu.memory_space<vmem>>) target(%dma_start3A_380 : memref<10240x128xf32, #tpu.memory_space<vmem_shared>>) offsets(%dma_start3A_377 : memref<128xi32, #tpu.memory_space<vmem>>) semaphore(%arg11 : memref<!tpu.dma_semaphore, #tpu.memory_space<semaphore_mem>>) {add = true}
      %dma_wait3A_381 = arith.constant 0 : i32
      %dma_wait3A_382 = arith.constant 6 : i32
      %dma_wait3A_383 = arith.constant 0 : i32
      %dma_wait3A_384 = arith.constant 0 : i32
      %dma_wait3A_385 = tpu.memref_slice %arg8[%dma_wait3A_381, %dma_wait3A_383, %dma_wait3A_384] : memref<2x128x128xf32, #tpu.memory_space<vmem>> -> memref<1x128x128xf32, #tpu.memory_space<vmem>>
      %dma_wait3A_386 = tpu.memref_squeeze %dma_wait3A_385 : memref<1x128x128xf32, #tpu.memory_space<vmem>> -> memref<128x128xf32, #tpu.memory_space<vmem>>
      %dma_wait3A_387 = arith.constant 0 : i32
      %dma_wait3A_388 = tpu.memref_slice %arg7[%rem3A_44, %dma_wait3A_382, %dma_wait3A_387] : memref<2x8x128xi32, #tpu.memory_space<vmem>> -> memref<1x1x128xi32, #tpu.memory_space<vmem>>
      %dma_wait3A_389 = tpu.memref_squeeze %dma_wait3A_388 : memref<1x1x128xi32, #tpu.memory_space<vmem>> -> memref<128xi32, #tpu.memory_space<vmem>>
      %dma_wait3A_390 = arith.constant 0 : i32
      %dma_wait3A_391 = arith.constant 0 : i32
      %dma_wait3A_392 = tpu.memref_slice %arg9[%dma_wait3A_390, %dma_wait3A_391] : memref<10240x128xf32, #tpu.memory_space<vmem_shared>> -> memref<10240x128xf32, #tpu.memory_space<vmem_shared>>
      tpu.wait_indirect_dma semaphore(%arg11 : memref<!tpu.dma_semaphore, #tpu.memory_space<semaphore_mem>>) src(%dma_wait3A_386 : memref<128x128xf32, #tpu.memory_space<vmem>>) dst(%dma_wait3A_392 : memref<10240x128xf32, #tpu.memory_space<vmem_shared>>)
      %dma_wait3A_393 = arith.constant 7 : i32
      %dma_wait3A_394 = arith.constant 1 : i32
      %dma_wait3A_395 = arith.constant 0 : i32
      %dma_wait3A_396 = arith.constant 0 : i32
      %dma_wait3A_397 = tpu.memref_slice %arg8[%dma_wait3A_394, %dma_wait3A_395, %dma_wait3A_396] : memref<2x128x128xf32, #tpu.memory_space<vmem>> -> memref<1x128x128xf32, #tpu.memory_space<vmem>>
      %dma_wait3A_398 = tpu.memref_squeeze %dma_wait3A_397 : memref<1x128x128xf32, #tpu.memory_space<vmem>> -> memref<128x128xf32, #tpu.memory_space<vmem>>
      %dma_wait3A_399 = arith.constant 0 : i32
      %dma_wait3A_400 = tpu.memref_slice %arg6[%rem3A_44, %dma_wait3A_393, %dma_wait3A_399] : memref<2x8x128xi32, #tpu.memory_space<vmem>> -> memref<1x1x128xi32, #tpu.memory_space<vmem>>
      %dma_wait3A_401 = tpu.memref_squeeze %dma_wait3A_400 : memref<1x1x128xi32, #tpu.memory_space<vmem>> -> memref<128xi32, #tpu.memory_space<vmem>>
      %dma_wait3A_402 = arith.constant 0 : i32
      %dma_wait3A_403 = arith.constant 0 : i32
      %dma_wait3A_404 = tpu.memref_slice %arg2[%dma_wait3A_402, %dma_wait3A_403] : memref<10000x128xf32, #tpu.memory_space<hbm>> -> memref<10000x128xf32, #tpu.memory_space<hbm>>
      tpu.wait_indirect_dma semaphore(%arg10 : memref<!tpu.dma_semaphore, #tpu.memory_space<semaphore_mem>>) src(%dma_wait3A_404 : memref<10000x128xf32, #tpu.memory_space<hbm>>) dst(%dma_wait3A_398 : memref<128x128xf32, #tpu.memory_space<vmem>>)
      %dma_start3A_405 = arith.constant 1 : i32
      %dma_start3A_406 = arith.constant 7 : i32
      %dma_start3A_407 = arith.constant 0 : i32
      %dma_start3A_408 = arith.constant 0 : i32
      %dma_start3A_409 = tpu.memref_slice %arg8[%dma_start3A_405, %dma_start3A_407, %dma_start3A_408] : memref<2x128x128xf32, #tpu.memory_space<vmem>> -> memref<1x128x128xf32, #tpu.memory_space<vmem>>
      %dma_start3A_410 = tpu.memref_squeeze %dma_start3A_409 : memref<1x128x128xf32, #tpu.memory_space<vmem>> -> memref<128x128xf32, #tpu.memory_space<vmem>>
      %dma_start3A_411 = arith.constant 0 : i32
      %dma_start3A_412 = tpu.memref_slice %arg7[%rem3A_44, %dma_start3A_406, %dma_start3A_411] : memref<2x8x128xi32, #tpu.memory_space<vmem>> -> memref<1x1x128xi32, #tpu.memory_space<vmem>>
      %dma_start3A_413 = tpu.memref_squeeze %dma_start3A_412 : memref<1x1x128xi32, #tpu.memory_space<vmem>> -> memref<128xi32, #tpu.memory_space<vmem>>
      %dma_start3A_414 = arith.constant 0 : i32
      %dma_start3A_415 = arith.constant 0 : i32
      %dma_start3A_416 = tpu.memref_slice %arg9[%dma_start3A_414, %dma_start3A_415] : memref<10240x128xf32, #tpu.memory_space<vmem_shared>> -> memref<10240x128xf32, #tpu.memory_space<vmem_shared>>
      tpu.enqueue_indirect_dma source(%dma_start3A_410 : memref<128x128xf32, #tpu.memory_space<vmem>>) target(%dma_start3A_416 : memref<10240x128xf32, #tpu.memory_space<vmem_shared>>) offsets(%dma_start3A_413 : memref<128xi32, #tpu.memory_space<vmem>>) semaphore(%arg11 : memref<!tpu.dma_semaphore, #tpu.memory_space<semaphore_mem>>) {add = true}
      %dma_wait3A_417 = arith.constant 1 : i32
      %dma_wait3A_418 = arith.constant 7 : i32
      %dma_wait3A_419 = arith.constant 0 : i32
      %dma_wait3A_420 = arith.constant 0 : i32
      %dma_wait3A_421 = tpu.memref_slice %arg8[%dma_wait3A_417, %dma_wait3A_419, %dma_wait3A_420] : memref<2x128x128xf32, #tpu.memory_space<vmem>> -> memref<1x128x128xf32, #tpu.memory_space<vmem>>
      %dma_wait3A_422 = tpu.memref_squeeze %dma_wait3A_421 : memref<1x128x128xf32, #tpu.memory_space<vmem>> -> memref<128x128xf32, #tpu.memory_space<vmem>>
      %dma_wait3A_423 = arith.constant 0 : i32
      %dma_wait3A_424 = tpu.memref_slice %arg7[%rem3A_44, %dma_wait3A_418, %dma_wait3A_423] : memref<2x8x128xi32, #tpu.memory_space<vmem>> -> memref<1x1x128xi32, #tpu.memory_space<vmem>>
      %dma_wait3A_425 = tpu.memref_squeeze %dma_wait3A_424 : memref<1x1x128xi32, #tpu.memory_space<vmem>> -> memref<128xi32, #tpu.memory_space<vmem>>
      %dma_wait3A_426 = arith.constant 0 : i32
      %dma_wait3A_427 = arith.constant 0 : i32
      %dma_wait3A_428 = tpu.memref_slice %arg9[%dma_wait3A_426, %dma_wait3A_427] : memref<10240x128xf32, #tpu.memory_space<vmem_shared>> -> memref<10240x128xf32, #tpu.memory_space<vmem_shared>>
      tpu.wait_indirect_dma semaphore(%arg11 : memref<!tpu.dma_semaphore, #tpu.memory_space<semaphore_mem>>) src(%dma_wait3A_422 : memref<128x128xf32, #tpu.memory_space<vmem>>) dst(%dma_wait3A_428 : memref<10240x128xf32, #tpu.memory_space<vmem_shared>>)
      %lt3A_429 = arith.constant 9 : i32
      %lt3A_430 = arith.cmpi slt, %scan3A_43, %lt3A_429 : i32
      %convert_element_type3A_431 = arith.extui %lt3A_430 : i1 to i32
      %cond3A_432 = arith.constant 0 : i32
      %cond3A_433 = arith.cmpi ne, %convert_element_type3A_431, %cond3A_432 : i32
      scf.if %cond3A_433 {
        %add3A_434 = arith.constant 1 : i32
        %add3A_435 = arith.addi %scan3A_43, %add3A_434 : i32
        %mul3A_436 = arith.constant 8 : i32
        %mul3A_437 = arith.muli %add3A_435, %mul3A_436 : i32
        %sub3A = arith.constant 1 : i32
        %sub3A_438 = arith.subi %sub3A, %rem3A_44 : i32
        %dma_wait3A_439 = arith.constant 0 : i32
        %dma_wait3A_440 = arith.constant 0 : i32
        %dma_wait3A_441 = tpu.memref_slice %arg6[%sub3A_438, %dma_wait3A_439, %dma_wait3A_440] : memref<2x8x128xi32, #tpu.memory_space<vmem>> -> memref<1x8x128xi32, #tpu.memory_space<vmem>>
        %dma_wait3A_442 = tpu.memref_squeeze %dma_wait3A_441 : memref<1x8x128xi32, #tpu.memory_space<vmem>> -> memref<8x128xi32, #tpu.memory_space<vmem>>
        %dma_wait3A_443 = arith.constant 0 : i32
        %dma_wait3A_444 = tpu.memref_slice %arg3[%add3A, %mul3A_437, %dma_wait3A_443] : memref<32x80x128xi32, #tpu.memory_space<hbm>> -> memref<1x8x128xi32, #tpu.memory_space<hbm>>
        %dma_wait3A_445 = tpu.memref_squeeze %dma_wait3A_444 : memref<1x8x128xi32, #tpu.memory_space<hbm>> -> memref<8x128xi32, #tpu.memory_space<hbm>>
        %dma_wait3A_446 = arith.constant 0 : i32
        %dma_wait3A_447 = arith.constant 0 : i32
        %dma_wait3A_448 = tpu.memref_slice %arg6[%sub3A_438, %dma_wait3A_446, %dma_wait3A_447] : memref<2x8x128xi32, #tpu.memory_space<vmem>> -> memref<1x8x128xi32, #tpu.memory_space<vmem>>
        %dma_wait3A_449 = tpu.memref_squeeze %dma_wait3A_448 : memref<1x8x128xi32, #tpu.memory_space<vmem>> -> memref<8x128xi32, #tpu.memory_space<vmem>>
        %dma_wait3A_450 = arith.constant 0 : i32
        %dma_wait3A_451 = tpu.memref_slice %arg3[%add3A, %mul3A_437, %dma_wait3A_450] : memref<32x80x128xi32, #tpu.memory_space<hbm>> -> memref<1x8x128xi32, #tpu.memory_space<hbm>>
        %dma_wait3A_452 = tpu.memref_squeeze %dma_wait3A_451 : memref<1x8x128xi32, #tpu.memory_space<hbm>> -> memref<8x128xi32, #tpu.memory_space<hbm>>
        tpu.wait_dma2 semaphore(%arg12 : memref<!tpu.dma_semaphore, #tpu.memory_space<semaphore_mem>>) src(%dma_wait3A_452 : memref<8x128xi32, #tpu.memory_space<hbm>>) dst(%dma_wait3A_449 : memref<8x128xi32, #tpu.memory_space<vmem>>)
        %add3A_453 = arith.constant 1 : i32
        %add3A_454 = arith.addi %scan3A_43, %add3A_453 : i32
        %mul3A_455 = arith.constant 8 : i32
        %mul3A_456 = arith.muli %add3A_454, %mul3A_455 : i32
        %sub3A_457 = arith.constant 1 : i32
        %sub3A_458 = arith.subi %sub3A_457, %rem3A_44 : i32
        %dma_wait3A_459 = arith.constant 0 : i32
        %dma_wait3A_460 = arith.constant 0 : i32
        %dma_wait3A_461 = tpu.memref_slice %arg7[%sub3A_458, %dma_wait3A_459, %dma_wait3A_460] : memref<2x8x128xi32, #tpu.memory_space<vmem>> -> memref<1x8x128xi32, #tpu.memory_space<vmem>>
        %dma_wait3A_462 = tpu.memref_squeeze %dma_wait3A_461 : memref<1x8x128xi32, #tpu.memory_space<vmem>> -> memref<8x128xi32, #tpu.memory_space<vmem>>
        %dma_wait3A_463 = arith.constant 0 : i32
        %dma_wait3A_464 = tpu.memref_slice %arg4[%add3A, %mul3A_456, %dma_wait3A_463] : memref<32x80x128xi32, #tpu.memory_space<hbm>> -> memref<1x8x128xi32, #tpu.memory_space<hbm>>
        %dma_wait3A_465 = tpu.memref_squeeze %dma_wait3A_464 : memref<1x8x128xi32, #tpu.memory_space<hbm>> -> memref<8x128xi32, #tpu.memory_space<hbm>>
        %dma_wait3A_466 = arith.constant 0 : i32
        %dma_wait3A_467 = arith.constant 0 : i32
        %dma_wait3A_468 = tpu.memref_slice %arg7[%sub3A_458, %dma_wait3A_466, %dma_wait3A_467] : memref<2x8x128xi32, #tpu.memory_space<vmem>> -> memref<1x8x128xi32, #tpu.memory_space<vmem>>
        %dma_wait3A_469 = tpu.memref_squeeze %dma_wait3A_468 : memref<1x8x128xi32, #tpu.memory_space<vmem>> -> memref<8x128xi32, #tpu.memory_space<vmem>>
        %dma_wait3A_470 = arith.constant 0 : i32
        %dma_wait3A_471 = tpu.memref_slice %arg4[%add3A, %mul3A_456, %dma_wait3A_470] : memref<32x80x128xi32, #tpu.memory_space<hbm>> -> memref<1x8x128xi32, #tpu.memory_space<hbm>>
        %dma_wait3A_472 = tpu.memref_squeeze %dma_wait3A_471 : memref<1x8x128xi32, #tpu.memory_space<hbm>> -> memref<8x128xi32, #tpu.memory_space<hbm>>
        tpu.wait_dma2 semaphore(%arg12 : memref<!tpu.dma_semaphore, #tpu.memory_space<semaphore_mem>>) src(%dma_wait3A_472 : memref<8x128xi32, #tpu.memory_space<hbm>>) dst(%dma_wait3A_469 : memref<8x128xi32, #tpu.memory_space<vmem>>)
      } else {
      }
    }
    %scan3A_37 = arith.constant 10 : i32
    %barrier3A_38 = arith.constant 0 : index
    tpu.barrier barrier_id(%barrier3A_38)
    %mul3A_39 = arith.constant 640 : i32
    %mul3A_40 = arith.muli %arg1, %mul3A_39 : i32
    %mul3A_41 = arith.constant 640 : i32
    %mul3A_42 = arith.muli %arg1, %mul3A_41 : i32
    "tpu.region"() ({
      %run_scoped3A_43 = tpu.sem_alloc : memref<!tpu.dma_semaphore, #tpu.memory_space<semaphore_mem>>
      %dma_start3A = arith.constant 0 : i32
      %dma_start3A_44 = tpu.memref_slice %arg5[%arg0, %mul3A_42, %dma_start3A] : memref<2x10240x128xf32, #tpu.memory_space<hbm>> -> memref<1x640x128xf32, #tpu.memory_space<hbm>>
      %dma_start3A_45 = tpu.memref_squeeze %dma_start3A_44 : memref<1x640x128xf32, #tpu.memory_space<hbm>> -> memref<640x128xf32, #tpu.memory_space<hbm>>
      %dma_start3A_46 = arith.constant 0 : i32
      %dma_start3A_47 = tpu.memref_slice %arg9[%mul3A_40, %dma_start3A_46] : memref<10240x128xf32, #tpu.memory_space<vmem_shared>> -> memref<640x128xf32, #tpu.memory_space<vmem_shared>>
      tpu.enqueue_dma source(%dma_start3A_47 : memref<640x128xf32, #tpu.memory_space<vmem_shared>>) target(%dma_start3A_45 : memref<640x128xf32, #tpu.memory_space<hbm>>) target_semaphore(%run_scoped3A_43 : memref<!tpu.dma_semaphore, #tpu.memory_space<semaphore_mem>>)
      %dma_wait3A = arith.constant 0 : i32
      %dma_wait3A_48 = tpu.memref_slice %arg5[%arg0, %mul3A_42, %dma_wait3A] : memref<2x10240x128xf32, #tpu.memory_space<hbm>> -> memref<1x640x128xf32, #tpu.memory_space<hbm>>
      %dma_wait3A_49 = tpu.memref_squeeze %dma_wait3A_48 : memref<1x640x128xf32, #tpu.memory_space<hbm>> -> memref<640x128xf32, #tpu.memory_space<hbm>>
      %dma_wait3A_50 = arith.constant 0 : i32
      %dma_wait3A_51 = tpu.memref_slice %arg9[%mul3A_40, %dma_wait3A_50] : memref<10240x128xf32, #tpu.memory_space<vmem_shared>> -> memref<640x128xf32, #tpu.memory_space<vmem_shared>>
      tpu.wait_dma2 semaphore(%run_scoped3A_43 : memref<!tpu.dma_semaphore, #tpu.memory_space<semaphore_mem>>) src(%dma_wait3A_51 : memref<640x128xf32, #tpu.memory_space<vmem_shared>>) dst(%dma_wait3A_49 : memref<640x128xf32, #tpu.memory_space<hbm>>)
      tpu.yield
    }) : () -> ()
    return
  }
}

module attributes {stable_mosaic.version = 14 : i64} {
  func.func @_mlp1_body(%arg0: i32, %arg1: memref<1000x128xf32, #tpu.memory_space<vmem>>, %arg2: memref<128x128xf32, #tpu.memory_space<vmem>>, %arg3: memref<1x128xf32, #tpu.memory_space<vmem>>, %arg4: memref<1000x128xf32, #tpu.memory_space<vmem>>) attributes {dimension_semantics = [#tpu.dimension_semantics<arbitrary>], iteration_bounds = array<i64: 10>, scalar_prefetch = 0 : i64, scratch_operands = 0 : i64, tpu.core_type = #tpu.core_type<tc>, window_params = [{transform_indices = @transform_0, window_bounds = array<i64: 1000, 128>}, {pipeline_mode = #tpu.pipeline_mode<synchronous>, transform_indices = @transform_1, window_bounds = array<i64: 128, 128>}, {pipeline_mode = #tpu.pipeline_mode<synchronous>, transform_indices = @transform_2, window_bounds = array<i64: 1, 128>}, {transform_indices = @transform_3, window_bounds = array<i64: 1000, 128>}]} {
    %get3A = arith.constant 0 : index
    %get3A_0 = arith.constant 0 : index
    %get3A_1 = vector.load %arg1[%get3A, %get3A_0] : memref<1000x128xf32, #tpu.memory_space<vmem>>, vector<1000x128xf32>
    %get3A_2 = arith.constant 0 : index
    %get3A_3 = arith.constant 0 : index
    %get3A_4 = vector.load %arg2[%get3A_2, %get3A_3] : memref<128x128xf32, #tpu.memory_space<vmem>>, vector<128x128xf32>
    %dot_general3A = arith.constant dense<0.000000e+00> : vector<1000x128xf32>
    %dot_general3A_5 = tpu.matmul %get3A_1, %get3A_4, %dot_general3A {dimension_numbers = #tpu.dot_dimension_numbers<[1], [0], [0], [1], [0, 0, 1, 1], [], []>, transpose_lhs_hint = false} : vector<1000x128xf32>, vector<128x128xf32>, vector<1000x128xf32> -> vector<1000x128xf32>
    %get3A_6 = arith.constant 0 : index
    %get3A_7 = arith.constant 0 : index
    %get3A_8 = vector.load %arg3[%get3A_6, %get3A_7] : memref<1x128xf32, #tpu.memory_space<vmem>>, vector<1x128xf32>
    %add3A = vector.broadcast %get3A_8 : vector<1x128xf32> to vector<1000x128xf32>
    %add3A_9 = arith.addf %dot_general3A_5, %add3A : vector<1000x128xf32>
    %max3A = arith.constant 0.000000e+00 : f32
    %max3A_10 = vector.broadcast %max3A : f32 to vector<1000x128xf32>
    %max3A_11 = arith.maximumf %add3A_9, %max3A_10 : vector<1000x128xf32>
    %swap3A = arith.constant 0 : index
    %swap3A_12 = arith.constant 0 : index
    %swap3A_13 = vector.load %arg4[%swap3A, %swap3A_12] : memref<1000x128xf32, #tpu.memory_space<vmem>>, vector<1000x128xf32>
    tpu.vector_store %arg4[%swap3A, %swap3A_12], %max3A_11 {strides = array<i32>} : memref<1000x128xf32, #tpu.memory_space<vmem>>, vector<1000x128xf32>,
    return
  }
  func.func @transform_0(%arg0: i32) -> (i32, i32) {
    %c0_i32 = arith.constant 0 : i32
    %c0_i32_0 = arith.constant 0 : i32
    return %arg0, %c0_i32 : i32, i32
  }
  func.func @transform_1(%arg0: i32) -> (i32, i32) {
    %c0_i32 = arith.constant 0 : i32
    %c0_i32_0 = arith.constant 0 : i32
    %c0_i32_1 = arith.constant 0 : i32
    return %c0_i32, %c0_i32_0 : i32, i32
  }
  func.func @transform_2(%arg0: i32) -> (i32, i32) {
    %c0_i32 = arith.constant 0 : i32
    %c0_i32_0 = arith.constant 0 : i32
    %c0_i32_1 = arith.constant 0 : i32
    return %c0_i32, %c0_i32_0 : i32, i32
  }
  func.func @transform_3(%arg0: i32) -> (i32, i32) {
    %c0_i32 = arith.constant 0 : i32
    %c0_i32_0 = arith.constant 0 : i32
    return %arg0, %c0_i32 : i32, i32
  }
}

module attributes {stable_mosaic.version = 14 : i64} {
  func.func @_mlp2_body(%arg0: i32, %arg1: memref<1x1000x128xf32, #tpu.memory_space<vmem>>, %arg2: memref<1x1000x128xf32, #tpu.memory_space<vmem>>, %arg3: memref<1000x128xf32, #tpu.memory_space<vmem>>, %arg4: memref<128x128xf32, #tpu.memory_space<vmem>>, %arg5: memref<1x128xf32, #tpu.memory_space<vmem>>, %arg6: memref<1000x128xf32, #tpu.memory_space<vmem>>) attributes {dimension_semantics = [#tpu.dimension_semantics<arbitrary>], iteration_bounds = array<i64: 10>, scalar_prefetch = 0 : i64, scratch_operands = 0 : i64, tpu.core_type = #tpu.core_type<tc>, window_params = [{transform_indices = @transform_0, window_bounds = array<i64: 1, 1000, 128>}, {transform_indices = @transform_1, window_bounds = array<i64: 1, 1000, 128>}, {transform_indices = @transform_2, window_bounds = array<i64: 1000, 128>}, {pipeline_mode = #tpu.pipeline_mode<synchronous>, transform_indices = @transform_3, window_bounds = array<i64: 128, 128>}, {pipeline_mode = #tpu.pipeline_mode<synchronous>, transform_indices = @transform_4, window_bounds = array<i64: 1, 128>}, {transform_indices = @transform_5, window_bounds = array<i64: 1000, 128>}]} {
    %get3A = arith.constant 0 : index
    %get3A_0 = arith.constant 0 : index
    %get3A_1 = arith.constant 0 : index
    %get3A_2 = vector.load %arg1[%get3A, %get3A_0, %get3A_1] : memref<1x1000x128xf32, #tpu.memory_space<vmem>>, vector<1x1000x128xf32>
    %get3A_3 = vector.shape_cast %get3A_2 : vector<1x1000x128xf32> to vector<1000x128xf32>
    %get3A_4 = arith.constant 0 : index
    %get3A_5 = arith.constant 0 : index
    %get3A_6 = arith.constant 0 : index
    %get3A_7 = vector.load %arg2[%get3A_4, %get3A_5, %get3A_6] : memref<1x1000x128xf32, #tpu.memory_space<vmem>>, vector<1x1000x128xf32>
    %get3A_8 = vector.shape_cast %get3A_7 : vector<1x1000x128xf32> to vector<1000x128xf32>
    %add3A = arith.addf %get3A_3, %get3A_8 : vector<1000x128xf32>
    %get3A_9 = arith.constant 0 : index
    %get3A_10 = arith.constant 0 : index
    %get3A_11 = vector.load %arg4[%get3A_9, %get3A_10] : memref<128x128xf32, #tpu.memory_space<vmem>>, vector<128x128xf32>
    %dot_general3A = arith.constant dense<0.000000e+00> : vector<1000x128xf32>
    %dot_general3A_12 = tpu.matmul %add3A, %get3A_11, %dot_general3A {dimension_numbers = #tpu.dot_dimension_numbers<[1], [0], [0], [1], [0, 0, 1, 1], [], []>, transpose_lhs_hint = false} : vector<1000x128xf32>, vector<128x128xf32>, vector<1000x128xf32> -> vector<1000x128xf32>
    %get3A_13 = arith.constant 0 : index
    %get3A_14 = arith.constant 0 : index
    %get3A_15 = vector.load %arg5[%get3A_13, %get3A_14] : memref<1x128xf32, #tpu.memory_space<vmem>>, vector<1x128xf32>
    %add3A_16 = vector.broadcast %get3A_15 : vector<1x128xf32> to vector<1000x128xf32>
    %add3A_17 = arith.addf %dot_general3A_12, %add3A_16 : vector<1000x128xf32>
    %max3A = arith.constant 0.000000e+00 : f32
    %max3A_18 = vector.broadcast %max3A : f32 to vector<1000x128xf32>
    %max3A_19 = arith.maximumf %add3A_17, %max3A_18 : vector<1000x128xf32>
    %get3A_20 = arith.constant 0 : index
    %get3A_21 = arith.constant 0 : index
    %get3A_22 = vector.load %arg3[%get3A_20, %get3A_21] : memref<1000x128xf32, #tpu.memory_space<vmem>>, vector<1000x128xf32>
    %add3A_23 = arith.addf %max3A_19, %get3A_22 : vector<1000x128xf32>
    %swap3A = arith.constant 0 : index
    %swap3A_24 = arith.constant 0 : index
    %swap3A_25 = vector.load %arg6[%swap3A, %swap3A_24] : memref<1000x128xf32, #tpu.memory_space<vmem>>, vector<1000x128xf32>
    tpu.vector_store %arg6[%swap3A, %swap3A_24], %add3A_23 {strides = array<i32>} : memref<1000x128xf32, #tpu.memory_space<vmem>>, vector<1000x128xf32>,
    return
  }
  func.func @transform_0(%arg0: i32) -> (i32, i32, i32) {
    %c0_i32 = arith.constant 0 : i32
    %c0_i32_0 = arith.constant 0 : i32
    %c0_i32_1 = arith.constant 0 : i32
    return %c0_i32, %arg0, %c0_i32_0 : i32, i32, i32
  }
  func.func @transform_1(%arg0: i32) -> (i32, i32, i32) {
    %c1_i32 = arith.constant 1 : i32
    %c0_i32 = arith.constant 0 : i32
    %c0_i32_0 = arith.constant 0 : i32
    return %c1_i32, %arg0, %c0_i32 : i32, i32, i32
  }
  func.func @transform_2(%arg0: i32) -> (i32, i32) {
    %c0_i32 = arith.constant 0 : i32
    %c0_i32_0 = arith.constant 0 : i32
    return %arg0, %c0_i32 : i32, i32
  }
  func.func @transform_3(%arg0: i32) -> (i32, i32) {
    %c0_i32 = arith.constant 0 : i32
    %c0_i32_0 = arith.constant 0 : i32
    %c0_i32_1 = arith.constant 0 : i32
    return %c0_i32, %c0_i32_0 : i32, i32
  }
  func.func @transform_4(%arg0: i32) -> (i32, i32) {
    %c0_i32 = arith.constant 0 : i32
    %c0_i32_0 = arith.constant 0 : i32
    %c0_i32_1 = arith.constant 0 : i32
    return %c0_i32, %c0_i32_0 : i32, i32
  }
  func.func @transform_5(%arg0: i32) -> (i32, i32) {
    %c0_i32 = arith.constant 0 : i32
    %c0_i32_0 = arith.constant 0 : i32
    return %arg0, %c0_i32 : i32, i32
  }
}

</mosaic_0001>

<sc_bundles>
// kernel: kernel.5.cloned.1.call-start
scs
__scs_entry_jumppad:
0x0: {  	(pc) =	sbr.rel $0x88, $3  }
0x1: {  	(tag) =	ssettag $0x0;
	lr =	simm.s32 $0x1  }
0x2: {  	[smem:$0x3F9B] =	sst lr;
	_ =	strace $0xD0000000  }
0x3: {  	_ = 	snop  }
0x4: {  	_ = 	snop  }
0x5: {  	_ = 	snop  }
0x6: {  	_ = 	snop  }
0x7: {  	_ = 	snop  }
__scs_overlays_trampoline_lowered:
0x8: {  	[smem:$0x3FAA] =	sst s0  }
0x9: {  	[smem:$0x3FAB] =	sst s1  }
0xa: {  	[smem:$0x3FAC] =	sst s2  }
0xb: {  	[smem:$0x3FAD] =	sst s3  }
0xc: {  	[smem:$0x3FAE] =	sst s4  }
0xd: {  	[smem:$0x3FAF] =	sst s5  }
0xe: {  	[smem:$0x3FB0] =	sst s6  }
0xf: {  	[smem:$0x3FB1] =	sst s7  }
0x10: {  	[smem:$0x3FB2] =	sst s8  }
0x11: {  	[smem:$0x3FB3] =	sst s9;
	s0 =	simm.s32 @!p0 $0x0  }
0x12: {  	s1 =	sld [smem:$0x3F99];
	s0 =	simm.s32 @p0 $0x1  }
0x13: {  	[smem:$0x3FB4] =	sst s0;
	s0 =	simm.s32 @!p1 $0x0  }
0x14: {  	s2 =	sld [smem:$0x3F98];
	s0 =	simm.s32 @p1 $0x1  }
0x15: {  	[smem:$0x3FB5] =	sst s0;
	s0 =	simm.s32 @!p2 $0x0  }
0x16: {  	s3 =	sld [smem:$0x3FDB];
	s0 =	simm.s32 @p2 $0x1  }
0x17: {  	s4 =	simm.s32 $0x1BF5;
	[smem:$0x3FB7] =	sst s0  }
0x18: {  	s0 =	sld [smem:$0x3F9A];
	_ =	swait.ge [sflag:s4], $0x0  }
0x19: {  	s7 =	sld [smem:$0x3F9B]  }
0x1a: {  	s8 =	sadd.s32 $0xFFFFE003, lr  }
0x1b: {  	s9 =	sadd.s32 $0xFFFFFEF7, lr;
	s5 =	simm.s32 $0xFFFFFFFF;
	p2 =	slt.u32 s8, $0xFFFFF086  }
0x1c: {  	p1 =	slt.u32 s9, $0xF7A;
	s5 =	simm.s32 @!p2 $0x0  }
0x1d: {  	s5 =	simm.s32 @p1 $0x1;
	p0 =	seq.s32 s7, s2  }
0x1e: {  	s7 =	smul.u32 @!p0 $0xF7A, s2;
	p2 =	seq.s32 @!p0 s5, $0x0  }
0x1f: {  	s9 =	smul.u32 $0xF7A, s1;
	s8 =	simm.s32 @!p0 $0x1BF5;
	p2 =	por !p2, p0  }
0x20: {  	[sflag:s8] =	ssyncset.s32 @!p0 $0xFFFFF086;
	s6 =	sadd.s32 @!p0 s3, s7;
	s7 =	simm.s32 @!p0 $0x108  }
0x21: {  	s3 =	sadd.s32 s3, s9;
	s6 =	sadd.s32 @!p0 $0x88, s6;
	s7 =	simm.s32 @p2 $0x1082  }
0x22: {  	[simem:s7], [sflag:s8] =	dma.local @!p0 [hbm:s6], $0xF7A  }
0x23: {  	s9 =	sor.u32 $0xD0000000, s2;
	s6 =	simm.s32 $0x108;
	_ =	swait.ge @!p0 [sflag:s8], $0x0  }
0x24: {  	s3 =	sadd.s32 $0x88, s3;
	s6 =	simm.s32 @!p1 $0x1082;
	[sflag:s4] =	ssyncset.s32 $0xFFFFF086  }
0x25: {  	[simem:s6], [sflag:s4] =	dma.local [hbm:s3], $0xF7A  }
0x26: {  	[smem:$0x3F9B] =	sst s1;
	(tag) =	ssettag s2;
	_ =	strace s9  }
0x27: {  	s1 =	sld [smem:$0x3FAB]  }
0x28: {  	s2 =	sld [smem:$0x3FAC]  }
0x29: {  	s4 =	sld [smem:$0x3FAE]  }
0x2a: {  	p0 =	seq.s32 s5, $0x0;
	s5 =	sld [smem:$0x3FAF]  }
0x2b: {  	s6 =	sld [smem:$0x3FB0]  }
0x2c: {  	s7 =	sld [smem:$0x3FB1]  }
0x2d: {  	s3 =	simm.s32 $0x108;
	s8 =	sld [smem:$0x3FB2]  }
0x2e: {  	s3 =	simm.s32 @!p0 $0x1082;
	s9 =	sld [smem:$0x3FB3]  }
0x2f: {  	lr =	sadd.s32 s0, s3;
	s0 =	sld [smem:$0x3FAA]  }
0x30: {  	s3 =	sld [smem:$0x3FAD]  }
0x31: {  	[smem:$0x3FB6] =	sst s10  }
0x32: {  	s10 =	sld [smem:$0x3FB4];
	_ =	sdelay $0x3  }
0x33: {  	p0 =	seq.s32 s10, $0x1;
	s10 =	sld [smem:$0x3FB6];
	_ =	sdelay $0x3  }
0x34: {  	[smem:$0x3FB6] =	sst s10  }
0x35: {  	s10 =	sld [smem:$0x3FB5];
	_ =	sdelay $0x3  }
0x36: {  	p1 =	seq.s32 s10, $0x1;
	s10 =	sld [smem:$0x3FB6];
	_ =	sdelay $0x3  }
0x37: {  	[smem:$0x3FB6] =	sst s10  }
0x38: {  	s10 =	sld [smem:$0x3FB7]  }
0x39: {  	_ = 	snop;
	(pc) =	sbr.ind lr, $3  }
0x3a: {  	_ = 	snop  }
0x3b: {  	_ = 	snop  }
0x3c: {  	p2 =	seq.s32 s10, $0x1;
	s10 =	sld [smem:$0x3FB6]  }
0x3d: {  	_ =	shalt  }
0x3e: {  	_ =	shalt  }
0x3f: {  	_ =	shalt  }
0x40: {  	_ =	shalt  }
0x41: {  	_ =	shalt  }
0x42: {  	_ =	shalt  }
0x43: {  	_ =	shalt  }
0x44: {  	_ =	shalt  }
0x45: {  	_ =	shalt  }
0x46: {  	_ =	shalt  }
0x47: {  	_ =	shalt  }
0x48: {  	_ =	shalt  }
0x49: {  	_ =	shalt  }
0x4a: {  	_ =	shalt  }
0x4b: {  	_ =	shalt  }
0x4c: {  	_ =	shalt  }
0x4d: {  	_ =	shalt  }
0x4e: {  	_ =	shalt  }
0x4f: {  	_ =	shalt  }
0x50: {  	_ =	shalt  }
0x51: {  	_ =	shalt  }
0x52: {  	_ =	shalt  }
0x53: {  	_ =	shalt  }
0x54: {  	_ =	shalt  }
0x55: {  	_ =	shalt  }
0x56: {  	_ =	shalt  }
0x57: {  	_ =	shalt  }
0x58: {  	_ =	shalt  }
0x59: {  	_ =	shalt  }
0x5a: {  	_ =	shalt  }
0x5b: {  	_ =	shalt  }
0x5c: {  	_ =	shalt  }
0x5d: {  	_ =	shalt  }
0x5e: {  	_ =	shalt  }
0x5f: {  	_ =	shalt  }
0x60: {  	_ =	shalt  }
0x61: {  	_ =	shalt  }
0x62: {  	_ =	shalt  }
0x63: {  	_ =	shalt  }
0x64: {  	_ =	shalt  }
0x65: {  	_ =	shalt  }
0x66: {  	_ =	shalt  }
0x67: {  	_ =	shalt  }
0x68: {  	_ =	shalt  }
0x69: {  	_ =	shalt  }
0x6a: {  	_ =	shalt  }
0x6b: {  	_ =	shalt  }
0x6c: {  	_ =	shalt  }
0x6d: {  	_ =	shalt  }
0x6e: {  	_ =	shalt  }
0x6f: {  	_ =	shalt  }
0x70: {  	_ =	shalt  }
0x71: {  	_ =	shalt  }
0x72: {  	_ =	shalt  }
0x73: {  	_ =	shalt  }
0x74: {  	_ =	shalt  }
0x75: {  	_ =	shalt  }
0x76: {  	_ =	shalt  }
0x77: {  	_ =	shalt  }
0x78: {  	_ =	shalt  }
0x79: {  	_ =	shalt  }
0x7a: {  	_ =	shalt  }
0x7b: {  	_ =	shalt  }
0x7c: {  	_ =	shalt  }
0x7d: {  	_ =	shalt  }
0x7e: {  	_ =	shalt  }
0x7f: {  	_ =	shalt  }
0x80: {  	_ =	shalt  }
0x81: {  	_ =	shalt  }
0x82: {  	_ =	shalt  }
0x83: {  	_ =	shalt  }
0x84: {  	_ =	shalt  }
0x85: {  	_ =	shalt  }
0x86: {  	_ =	shalt  }
0x87: {  	_ =	shalt  }
.Lfunc_end0:
.L_simem_size_0:
called_computation_lowered:
.L_overlay_start_0:
0x88: {  	s2 =	sld [smem:$0x3FD9]  }
0x89: {  	s3 =	sld [smem:$0x3FFE];
	_ =	sdelay $0x1  }
0x8a: {  	s1 =	srdreg.scid  }
0x8b: {  	s0 =	sand.u32 $0x1, s1  }
0x8c: {  	s17 =	sshll.u32 s0, $0xA;
	s2 =	sadd.s32 s3, s2  }
0x8d: {  	s2 =	sadd.s32 s2, s17  }
0x8e: {  	[smem:$0x3FC2] =	sst s2  }
0x8f: {  	_ = 	snop  }
0x90: {  	s2 =	sld [smem:$0x3FD0];
	(tm) =	ssettm $0x1  }
0x91: {  	s18 =	sld [smem:$0x3FFB];
	_ =	sdelay $0x3  }
0x92: {  	_ =	strace s18  }
0x93: {  	s3 =	sld [smem:$0x3FFC];
	_ =	sdelay $0x3  }
0x94: {  	_ =	strace s3  }
0x95: {  	s3 =	sld [smem:$0x3FFD];
	_ =	sdelay $0x3  }
0x96: {  	_ =	strace s3  }
0x97: {  	_ =	strace $0x8FFFFFFF  }
0x98: {  	s19 =	sld [smem:$0x3FDB];
	_ =	sdelay $0x1  }
0x99: {  	s4 =	simm.s32 $_scs_section_size  }
0x9a: {  	s5 =	simm.s32 $_size__tile_overlayer_lowered;
	s6 =	simm.s32 $_tile_overlayer_lowered  }
0x9b: {  	s22 =	simm.s32 $0x1BFF;
	s21 =	sshll.u32 s6, $0x1;
	s3 =	sadd.s32 s4, s19  }
0x9c: {  	s7 =	simm.s32 $0x0;
	s20 =	sshll.u32 s5, $0x1;
	s5 =	sadd.s32 s21, s3  }
0x9d: {  	[timem:s7], [sflag:s22] =	dma.local [hbm:s5], s20  }
0x9e: {  	_ =	swait.ge [sflag:s22], s20  }
0x9f: {  	s4 =	ssub.s32 $0x0, s20;
	[sflag:s22] =	ssyncset.done $0x0  }
0xa0: {  	[sflag:s22] =	ssyncadd.s32 s4;
	_ =	sdelay $0x1  }
0xa1: {  	s23 =	simm.s32 $0x1B8B  }
0xa2: {  	_ =	swait.ge [sflag:s23], $0x1  }
0xa3: {  	[sflag:s23] =	ssyncset.done $0x0  }
0xa4: {  	s25 =	simm.s32 $0x1B8E;
	s24 =	sld [smem:$0x3FFE];
	[sflag:s23] =	ssyncadd.s32 $0xFFFFFFFF  }
0xa5: {  	s26 =	simm.s32 $execute0_lowered;
	[smem:$0x3FD2] =	sst s25  }
0xa6: {  	s5 =	sshll.u32 s26, $0x1;
	_ =	strace $0x80000046;
	[dreg:$0x1] =	wrdreg $0xFFFFFFFF  }
0xa7: {  	s28 =	simm.s32 $_size_execute0_lowered;
	s3 =	sadd.s32 s3, s5;
	[dreg:$0x0] =	wrdreg $0x0  }
0xa8: {  	s5 =	sshll.u32 s28, $0x1;
	[dreg:$0x2] =	wrdreg s3  }
0xa9: {  	[dreg:$0x3] =	wrdreg s5  }
0xaa: {  	[dreg:$0x4] =	wrdreg $0xC0  }
0xab: {  	_ =	task [dreg:s7], $0x5FFFF  }
0xac: {  	[dreg:$0x1] =	wrdreg $0xFFFFFFFF  }
0xad: {  	[dreg:$0x0] =	wrdreg $0x60  }
0xae: {  	[dreg:$0x2] =	wrdreg s2  }
0xaf: {  	[dreg:$0x3] =	wrdreg s24  }
0xb0: {  	[dreg:$0x4] =	wrdreg $0x90000  }
0xb1: {  	[dreg:$0x5] =	wrdreg $0x9  }
0xb2: {  	_ =	task.clear_ibuf [dreg:s7], $0x6FFFF;
	_ =	strace $0x90000046  }
0xb3: {  	s29 =	simm.s32 $0x9;
	_ =	strace $0x80000048  }
0xb4: {  	_ =	swait.ge [sflag:s29], $0x1  }
0xb5: {  	[sflag:s29] =	ssyncadd.s32 $0xFFFFFFFF  }
0xb6: {  	_ =	strace $0x90000048  }
0xb7: {  	_ =	sfence  }
0xb8: {  	s30 =	sld [smem:$0x0];
	_ =	sdelay $0x2  }
0xb9: {  	s31 =	sshll.u32 s1, $0xD;
	s1 =	sshrl.u32 s1, $0x2  }
0xba: {  	s3 =	sand.u32 $0x4000, s31;
	s1 =	sadd.s32 s1, s30  }
0xbb: {  	s0 =	sor.u32 s3, s0;
	s1 =	sshll.u32 s1, $0x11  }
0xbc: {  	s0 =	sor.u32 s1, s0  }
0xbd: {  	s0 =	sadd.s32 $0x8F2B, s0  }
0xbe: {  	[sflag:s0] =	ssyncadd.remote.s32 $0x1  }
0xbf: {  	_ =	sfence.sel $0xFFFF  }
0xc0: {  	[dreg:$0x0] =	wrdreg $0xFFFFFFFF;
	(pc) =	sbr.abs _section_cstart, $3  }
0xc1: {  	[dreg:$0x1] =	wrdreg $0xFFFFFFFF  }
0xc2: {  	_ =	task.clear_ibuf [dreg:s7], $0x2FFFF;
	_ =	strace $0x9FFFFFFF  }
0xc3: {  	(tm) =	ssettm $0x7FFFFFFF  }
tec
execute0_lowered:
.L_overlay_start_1:
0x0: {  	(tag) =	ssettag $0x1  }
0x1: {  	s0 =	rddreg [dreg:$0x0]  }
0x2: {  	s5 =	rddreg [dreg:$0x1];
	s1 =	srdreg.scid  }
0x3: {  	s3 =	rddreg [dreg:$0x2];
	s2 =	stileid.u32;
	s4 =	simm.s32 $0x0  }
0x4: {  	s17 =	simm.s32 $0x4;
	s18 =	simm.s32 $0x800;
	s19 =	simm.s32 $0x80  }
0x5: {  	s20 =	simm.s32 $0x5000;
	s21 =	simm.s32 $0x1;
	s22 =	simm.s32 $0x2  }
0x6: {  	s6 =	sand.u32 $0x1, s1;
	s1 =	rddreg [dreg:$0x3];
	s8 =	smul.u32 $0x14000, s2  }
0x7: {  	s23 =	simm.s32 $0x3;
	[smem:$0x7FF] =	sst s4;
	s9 =	smul.u32 $0x50000, s2  }
0x8: {  	s15 =	sadd.s32 $0xAA00, s5;
	s14 =	sadd.s32 $0xA00, s5;
	s10 =	smul.u32 $0x5000, s2  }
0x9: {  	s30 =	sshll.u32 s2, $0x1;
	s7 =	smul.u32 $0x140000, s6;
	_ =	strace $0x80000047  }
0xa: {  	s28 =	ssub.s32 $0x2, s6;
	s11 =	sor.u32 s6, s30;
	s31 =	smul.u32 $0x2800, s6  }
0xb: {  	s29 =	sshrl.u32 s28, $0x1;
	s9 =	sshrl.u32 s9, $0x2;
	s11 =	smul.u32 $0x2800, s11  }
0xc: {  	s7 =	sadd.s32 s8, s7;
	s13 =	ssub.s32 s28, s29;
	s10 =	sadd.s32 s31, s10  }
0xd: {  	s7 =	sshrl.u32 s7, $0x3;
	s11 =	sshrl.u32 s11, $0x3;
	s16 =	sor.u32 $0x400, s10  }
.Ltmp0:
0xe: {  	s13 =	smax.u32 s13, $0x1;
	s12 =	sadd.s32 s7, s5;
	(pc) =	sbr.rel .LBB2_1-.Ltmp0, $4  }
0xf: {  	s5 =	sadd.s32 s9, s3;
	s10 =	sadd.s32 s15, s11;
	s11 =	sadd.s32 s14, s11  }
0x10: {  	s16 =	sshrl.u32 s16, $0x3;
	s6 =	sadd.s32 $0x4000, s5;
	s7 =	sadd.s32 $0x8000, s5  }
0x11: {  	s8 =	sadd.s32 $0xC000, s5;
	s9 =	sadd.s32 $0x10000, s5;
	s12 =	sadd.s32 $0x14A00, s12  }
0x12: {  	v0 =	vimm.f32 $0.0e+00;
	s14 =	sadd.s32 s16, s14;
	s15 =	sadd.s32 s16, s15;
	s16 =	simm.s32 $0x1000  }
.LBB2_6:
0x13: {  	s4 =	sadd.s32 $0x1, s4  }
0x14: {  	s24 =	sshll.u32 s2, $0x6;
	[bflag:$0x0] =	sbarrier.arrive $0xFFFF;
	p0 =	sne.s32 s4, s13  }
.Ltmp1:
0x15: {  	s25 =	sshrl.u32 s5, $0x3;
	s24 =	sor.u32 $0x1C04, s24;
	(pc) =	sbr.rel @!p0 .LBB2_7-.Ltmp1, $4  }
0x16: {  	[hbm:s12], [sflag:s24] =	dma.local [spmem:s25], $0x2800  }
0x17: {  	_ =	swait.ge [sflag:s17], $0x2800  }
0x18: {  	[sflag:s17] =	ssyncset.done $0x0  }
0x19: {  	[sflag:s17] =	ssyncadd.s32 $0xFFFFD800  }
.LBB2_1:
0x1a: {  	s24 =	simm.s32 $0x0;
	s25 =	simm.s32 $0x200  }
.LBB2_2:
0x1b: {  	p0 =	sne.s32 s25, $0xFE00;
	[tilespmem:s24+$0x1070] =	vst v0  }
0x1c: {  	[tilespmem:s24+$0x1000] =	vst v0  }
0x1d: {  	[tilespmem:s24+$0x1010] =	vst v0  }
.Ltmp2:
0x1e: {  	[tilespmem:s24+$0x1020] =	vst v0;
	(pc) =	sbr.rel @p0 .LBB2_2-.Ltmp2, $4  }
0x1f: {  	[tilespmem:s24+$0x1030] =	vst v0  }
0x20: {  	[tilespmem:s24+$0x1040] =	vst v0  }
0x21: {  	[tilespmem:s24+$0x1050] =	vst v0  }
0x22: {  	[tilespmem:s24+$0x1060] =	vst v0;
	s24 =	sshra.s32 s25, $0x2;
	s25 =	sadd.s32 $0x200, s25  }
0x23: {  	[tilespmem:s24+$0x1070] =	vst v0  }
0x24: {  	[tilespmem:s24+$0x1000] =	vst v0  }
0x25: {  	[tilespmem:s24+$0x1010] =	vst v0  }
0x26: {  	[tilespmem:s24+$0x1020] =	vst v0  }
0x27: {  	[tilespmem:s24+$0x1030] =	vst v0  }
0x28: {  	[tilespmem:s24+$0x1040] =	vst v0  }
0x29: {  	[tilespmem:s24+$0x1050] =	vst v0  }
0x2a: {  	[tilespmem:s24+$0x1060] =	vst v0  }
0x2b: {  	[spmem:s5] =	stream.linear.scatter [tilespmem:s16], [sflag:$0x4], $0x4000, $0x38;
	[tilespmem:$0x1D000] =	vst v63  }
0x2c: {  	_ =	swait.ge [sflag:s17], $0x4000  }
0x2d: {  	[sflag:s17] =	ssyncset.done $0x0  }
0x2e: {  	[sflag:s17] =	ssyncadd.s32 $0xFFFFC000  }
0x2f: {  	[spmem:s6] =	stream.linear.scatter [tilespmem:s16], [sflag:$0x4], $0x4000, $0x38;
	[tilespmem:$0x1D000] =	vst v63  }
0x30: {  	_ =	swait.ge [sflag:s17], $0x4000  }
0x31: {  	[sflag:s17] =	ssyncset.done $0x0  }
0x32: {  	[sflag:s17] =	ssyncadd.s32 $0xFFFFC000  }
0x33: {  	[spmem:s7] =	stream.linear.scatter [tilespmem:s16], [sflag:$0x4], $0x4000, $0x38;
	[tilespmem:$0x1D000] =	vst v63  }
0x34: {  	_ =	swait.ge [sflag:s17], $0x4000  }
0x35: {  	[sflag:s17] =	ssyncset.done $0x0  }
0x36: {  	[sflag:s17] =	ssyncadd.s32 $0xFFFFC000  }
0x37: {  	[spmem:s8] =	stream.linear.scatter [tilespmem:s16], [sflag:$0x4], $0x4000, $0x38;
	[tilespmem:$0x1D000] =	vst v63  }
0x38: {  	_ =	swait.ge [sflag:s17], $0x4000  }
0x39: {  	[sflag:s17] =	ssyncset.done $0x0  }
0x3a: {  	[sflag:s17] =	ssyncadd.s32 $0xFFFFC000  }
0x3b: {  	[spmem:s9] =	stream.linear.scatter [tilespmem:s16], [sflag:$0x4], $0x4000, $0x38;
	[tilespmem:$0x1D000] =	vst v63  }
0x3c: {  	_ =	swait.ge [sflag:s17], $0x4000  }
0x3d: {  	[sflag:s17] =	ssyncset.done $0x0  }
0x3e: {  	[sflag:s17] =	ssyncadd.s32 $0xFFFFC000  }
0x3f: {  	s24 =	simm.s32 $0x0;
	[bflag:$0x0] =	sbarrier.arrive $0xFFFF  }
0x40: {  	[tilespmem:s24], [sflag:$0x4] =	stream.linear.gather [hbm4b:s10+s24], $0x400, $0x38;
	[tilespmem:$0x1D000] =	vst v63  }
0x41: {  	_ =	swait.ge [sflag:s17], $0x400  }
0x42: {  	[sflag:s17] =	ssyncset.done $0x0  }
0x43: {  	[sflag:s17] =	ssyncadd.s32 $0xFFFFFC00  }
0x44: {  	[tilespmem:s18], [sflag:$0x4] =	stream.linear.gather [hbm4b:s11+s24], $0x400, $0x38;
	[tilespmem:$0x1D000] =	vst v63  }
0x45: {  	_ =	swait.ge [sflag:s17], $0x400  }
0x46: {  	[sflag:s17] =	ssyncset.done $0x0  }
0x47: {  	s25 =	smov.u32 s15;
	s26 =	smov.u32 s14;
	[sflag:s17] =	ssyncadd.s32 $0xFFFFFC00  }
.LBB2_4:
0x48: {  	p0 =	seq.s32 s24, $0x2400  }
0x49: {  	s28 =	sand.u32 @!p0 $0x400, s24  }
0x4a: {  	s30 =	simm.s32 @!p0 $0x0;
	s29 =	sxor.u32 @!p0 $0x400, s28  }
0x4b: {  	[tilespmem:s29], [sflag:$0x3] =	stream.linear.gather @!p0 [hbm4b:s25+s30], $0x400, $0x38;
	[tilespmem:$0x1D000] =	vst v63  }
0x4c: {  	s29 =	sxor.u32 @!p0 $0xC00, s28  }
0x4d: {  	[tilespmem:s29], [sflag:$0x3] =	stream.linear.gather @!p0 [hbm4b:s26+s30], $0x400, $0x38;
	[tilespmem:$0x1D000] =	vst v63  }
0x4e: {  	s28 =	simm.s32 @p0 $0x400  }
0x4f: {  	[tilespmem:s16], [sflag:$0x1] =	stream.indirect.gather [hbm4b:s0+s19], $0x80, s28, s19, $0xb8;
	[tilespmem:$0x1D000] =	vst v63  }
0x50: {  	s30 =	sor.u32 $0x80, s28  }
0x51: {  	[tilespmem:s20], [sflag:$0x1] =	stream.indirect.gather [hbm4b:s0+s19], $0x80, s30, s19, $0xb8;
	[tilespmem:$0x1D000] =	vst v63  }
0x52: {  	_ =	swait.ge [sflag:s21], $0x4000  }
0x53: {  	[sflag:s21] =	ssyncset.done $0x0  }
0x54: {  	s31 =	sor.u32 $0x800, s28;
	[sflag:s21] =	ssyncadd.s32 $0xFFFFC000  }
0x55: {  	[spmem:s3] =	stream.indirect.scatter.add.f32 [tilespmem:s16], [sflag:$0x2], $0x80, s31, s19, $0xb8;
	[tilespmem:$0x1D000] =	vst v63  }
0x56: {  	_ =	swait.ge [sflag:s22], $0x4000  }
0x57: {  	[sflag:s22] =	ssyncset.done $0x0  }
0x58: {  	s30 =	sor.u32 $0x100, s28;
	[sflag:s22] =	ssyncadd.s32 $0xFFFFC000  }
0x59: {  	[tilespmem:s16], [sflag:$0x1] =	stream.indirect.gather [hbm4b:s0+s19], $0x80, s30, s19, $0xb8;
	[tilespmem:$0x1D000] =	vst v63  }
0x5a: {  	_ =	swait.ge [sflag:s21], $0x4000  }
0x5b: {  	[sflag:s21] =	ssyncset.done $0x0  }
0x5c: {  	s31 =	sor.u32 $0x880, s28;
	[sflag:s21] =	ssyncadd.s32 $0xFFFFC000  }
0x5d: {  	[spmem:s3] =	stream.indirect.scatter.add.f32 [tilespmem:s20], [sflag:$0x2], $0x80, s31, s19, $0xb8;
	[tilespmem:$0x1D000] =	vst v63  }
0x5e: {  	_ =	swait.ge [sflag:s22], $0x4000  }
0x5f: {  	[sflag:s22] =	ssyncset.done $0x0  }
0x60: {  	s30 =	sor.u32 $0x180, s28;
	[sflag:s22] =	ssyncadd.s32 $0xFFFFC000  }
0x61: {  	[tilespmem:s20], [sflag:$0x1] =	stream.indirect.gather [hbm4b:s0+s19], $0x80, s30, s19, $0xb8;
	[tilespmem:$0x1D000] =	vst v63  }
0x62: {  	_ =	swait.ge [sflag:s21], $0x4000  }
0x63: {  	[sflag:s21] =	ssyncset.done $0x0  }
0x64: {  	s31 =	sor.u32 $0x900, s28;
	[sflag:s21] =	ssyncadd.s32 $0xFFFFC000  }
0x65: {  	[spmem:s3] =	stream.indirect.scatter.add.f32 [tilespmem:s16], [sflag:$0x2], $0x80, s31, s19, $0xb8;
	[tilespmem:$0x1D000] =	vst v63  }
0x66: {  	_ =	swait.ge [sflag:s22], $0x4000  }
0x67: {  	[sflag:s22] =	ssyncset.done $0x0  }
0x68: {  	s30 =	sor.u32 $0x200, s28;
	[sflag:s22] =	ssyncadd.s32 $0xFFFFC000  }
0x69: {  	[tilespmem:s16], [sflag:$0x1] =	stream.indirect.gather [hbm4b:s0+s19], $0x80, s30, s19, $0xb8;
	[tilespmem:$0x1D000] =	vst v63  }
0x6a: {  	_ =	swait.ge [sflag:s21], $0x4000  }
0x6b: {  	[sflag:s21] =	ssyncset.done $0x0  }
0x6c: {  	s31 =	sor.u32 $0x980, s28;
	[sflag:s21] =	ssyncadd.s32 $0xFFFFC000  }
0x6d: {  	[spmem:s3] =	stream.indirect.scatter.add.f32 [tilespmem:s20], [sflag:$0x2], $0x80, s31, s19, $0xb8;
	[tilespmem:$0x1D000] =	vst v63  }
0x6e: {  	_ =	swait.ge [sflag:s22], $0x4000  }
0x6f: {  	[sflag:s22] =	ssyncset.done $0x0  }
0x70: {  	s30 =	sor.u32 $0x280, s28;
	[sflag:s22] =	ssyncadd.s32 $0xFFFFC000  }
0x71: {  	[tilespmem:s20], [sflag:$0x1] =	stream.indirect.gather [hbm4b:s0+s19], $0x80, s30, s19, $0xb8;
	[tilespmem:$0x1D000] =	vst v63  }
0x72: {  	_ =	swait.ge [sflag:s21], $0x4000  }
0x73: {  	[sflag:s21] =	ssyncset.done $0x0  }
0x74: {  	s31 =	sor.u32 $0xA00, s28;
	[sflag:s21] =	ssyncadd.s32 $0xFFFFC000  }
0x75: {  	[spmem:s3] =	stream.indirect.scatter.add.f32 [tilespmem:s16], [sflag:$0x2], $0x80, s31, s19, $0xb8;
	[tilespmem:$0x1D000] =	vst v63  }
0x76: {  	_ =	swait.ge [sflag:s22], $0x4000  }
0x77: {  	[sflag:s22] =	ssyncset.done $0x0  }
0x78: {  	s30 =	sor.u32 $0x300, s28;
	[sflag:s22] =	ssyncadd.s32 $0xFFFFC000  }
0x79: {  	[tilespmem:s16], [sflag:$0x1] =	stream.indirect.gather [hbm4b:s0+s19], $0x80, s30, s19, $0xb8;
	[tilespmem:$0x1D000] =	vst v63  }
0x7a: {  	_ =	swait.ge [sflag:s21], $0x4000  }
0x7b: {  	[sflag:s21] =	ssyncset.done $0x0  }
0x7c: {  	s31 =	sor.u32 $0xA80, s28;
	[sflag:s21] =	ssyncadd.s32 $0xFFFFC000  }
0x7d: {  	[spmem:s3] =	stream.indirect.scatter.add.f32 [tilespmem:s20], [sflag:$0x2], $0x80, s31, s19, $0xb8;
	[tilespmem:$0x1D000] =	vst v63  }
0x7e: {  	_ =	swait.ge [sflag:s22], $0x4000  }
0x7f: {  	[sflag:s22] =	ssyncset.done $0x0  }
0x80: {  	s30 =	sor.u32 $0x380, s28;
	[sflag:s22] =	ssyncadd.s32 $0xFFFFC000  }
0x81: {  	[tilespmem:s20], [sflag:$0x1] =	stream.indirect.gather [hbm4b:s0+s19], $0x80, s30, s19, $0xb8;
	[tilespmem:$0x1D000] =	vst v63  }
0x82: {  	_ =	swait.ge [sflag:s21], $0x4000  }
0x83: {  	[sflag:s21] =	ssyncset.done $0x0  }
0x84: {  	s31 =	sor.u32 $0xB00, s28;
	[sflag:s21] =	ssyncadd.s32 $0xFFFFC000  }
0x85: {  	[spmem:s3] =	stream.indirect.scatter.add.f32 [tilespmem:s16], [sflag:$0x2], $0x80, s31, s19, $0xb8;
	[tilespmem:$0x1D000] =	vst v63  }
0x86: {  	_ =	swait.ge [sflag:s22], $0x4000  }
0x87: {  	[sflag:s22] =	ssyncset.done $0x0  }
0x88: {  	[sflag:s22] =	ssyncadd.s32 $0xFFFFC000  }
0x89: {  	_ =	swait.ge [sflag:s21], $0x4000  }
0x8a: {  	[sflag:s21] =	ssyncset.done $0x0  }
.Ltmp3:
0x8b: {  	s28 =	sor.u32 $0xB80, s28;
	[sflag:s21] =	ssyncadd.s32 $0xFFFFC000;
	(pc) =	sbr.rel @p0 .LBB2_6-.Ltmp3, $4  }
0x8c: {  	[spmem:s3] =	stream.indirect.scatter.add.f32 [tilespmem:s20], [sflag:$0x2], $0x80, s28, s19, $0xb8;
	[tilespmem:$0x1D000] =	vst v63  }
0x8d: {  	_ =	swait.ge [sflag:s22], $0x4000  }
0x8e: {  	[sflag:s22] =	ssyncset.done $0x0  }
0x8f: {  	[sflag:s22] =	ssyncadd.s32 $0xFFFFC000  }
0x90: {  	_ =	swait.ge [sflag:s23], $0x400  }
.Ltmp4:
0x91: {  	[sflag:s23] =	ssyncset.done $0x0;
	(pc) =	sbr.rel .LBB2_4-.Ltmp4, $4  }
0x92: {  	[sflag:s23] =	ssyncadd.s32 $0xFFFFFC00  }
0x93: {  	_ =	swait.ge [sflag:s23], $0x400  }
0x94: {  	s24 =	sadd.s32 $0x400, s24;
	[sflag:s23] =	ssyncset.done $0x0  }
0x95: {  	s26 =	sadd.s32 $0x80, s26;
	s25 =	sadd.s32 $0x80, s25;
	[sflag:s23] =	ssyncadd.s32 $0xFFFFFC00  }
.LBB2_7:
0x96: {  	_ =	sfence.sel $0x180000  }
0x97: {  	[bflag:$0x0] =	sbarrier.arrive $0xFFFF  }
0x98: {  	p0 =	sne.s32 s2, $0x0;
	_ =	strace $0x90000047  }
0x99: {  	s0 =	sadd.s32 @!p0 $0x100000, s1;
	[bflag:$0x2] =	sbarrier.arrive $0xFFFF  }
0x9a: {  	[sflag:s0] =	ssyncadd.tile.s32 @!p0 $0x1;
	_ =	shalt  }
.Lfunc_end2:
_tile_overlayer_lowered:
.L_overlay_start_2:
0x9b: {  	(tag) =	ssettag $0x2  }
0x9c: {  	s0 =	rddreg [dreg:$0x0];
	s2 =	stileid.u32  }
0x9d: {  	s1 =	rddreg [dreg:$0x1];
	p0 =	sne.s32 s2, $0x0  }
0x9e: {  	s3 =	rddreg [dreg:$0x2];
	[bflag:$0x3] =	sbarrier.arrive $0xFFFF;
	s2 =	simm.s32 @!p0 $0x1C04  }
0x9f: {  	[timem:s3], [sflag:s2] =	dma.local @!p0 [hbm:s0], s1  }
0xa0: {  	s0 =	simm.s32 @!p0 $0x4  }
0xa1: {  	_ =	swait.ge @!p0 [sflag:s0], s1  }
0xa2: {  	s1 =	ssub.s32 @!p0 $0x0, s1;
	[sflag:s0] =	ssyncset.done @!p0 $0x0  }
0xa3: {  	[sflag:s0] =	ssyncadd.s32 @!p0 s1  }
0xa4: {  	[bflag:$0x3] =	sbarrier.arrive $0xFFFF  }
0xa5: {  	_ =	shalt  }

</sc_bundles>
